<compile_context>
chip_gen: v7x
topology: tpu7x:2x2x1
jax: 0.10.2.dev20260603
libtpu: 0.0.44.dev20260713+nightly
codegen_flags: <defaults>
</compile_context>

<pallas_src>
import jax
import jax.numpy as jnp
from jax.experimental import pallas as pl
from jax.experimental.pallas import tpu as pltpu

_RADIUS = 0.025
_N_ROM = 32768
_N_FOM = 16384
_QBLK = 256
_W = 2816
_KSLOTS = 16
_CW = 768



def _block_kernel(starts_ref, q_ref, romx_ref, rf_ref, w1_ref, b1_ref,
                  w2_ref, b2_ref, w3_ref, b3_ref, out_ref):
    b = pl.program_id(0)
    s0 = pl.multiple_of(starts_ref[b], 128)
    q = q_ref[...]
    romx_w = romx_ref[:, pl.ds(s0, _W)]
    rf_w = rf_ref[pl.ds(s0, _W), :]

    r2 = jnp.float32(_RADIUS * _RADIUS)
    d2 = jnp.zeros((_QBLK, _W), dtype=jnp.float32)
    for d in range(3):
        diff = q[:, d:d + 1] - romx_w[d:d + 1, :]
        d2 = d2 + diff * diff
    mask = d2 <= r2
    mb = mask.astype(jnp.bfloat16)

    live = jnp.max(mb, axis=0, keepdims=True)
    colrank = live.astype(jnp.float32)
    shift = 1
    while shift < _W:
        colrank = colrank + jnp.concatenate(
            [jnp.zeros((1, shift), jnp.float32), colrank[:, :_W - shift]],
            axis=1)
        shift *= 2
    pidx = jax.lax.broadcasted_iota(jnp.int32, (_CW, 1), 0
                                    ).astype(jnp.float32) + 1.0
    ct = jnp.where(jnp.logical_and(colrank == pidx, live > 0),
                   1.0, 0.0).astype(jnp.bfloat16)

    mask_c = jax.lax.dot_general(mb, ct, (((1,), (1,)), ((), ())),
                                 preferred_element_type=jnp.float32)
    mc = mask_c.astype(jnp.bfloat16)

    rf_hi = jax.lax.dot_general(ct, rf_w.astype(jnp.bfloat16),
                                (((1,), (0,)), ((), ())),
                                preferred_element_type=jnp.float32
                                ).astype(jnp.bfloat16)
    rf_w_lo = (rf_w - rf_w.astype(jnp.bfloat16).astype(jnp.float32)
               ).astype(jnp.bfloat16)
    rf_lo = jax.lax.dot_general(ct, rf_w_lo, (((1,), (0,)), ((), ())),
                                preferred_element_type=jnp.float32
                                ).astype(jnp.bfloat16)

    rank = mc
    shift = 1
    while shift < _CW:
        rank = rank + jnp.concatenate(
            [jnp.zeros((_QBLK, shift), jnp.bfloat16), rank[:, :_CW - shift]],
            axis=1)
        shift *= 2
    cnt = rank[:, _CW - 1:_CW].astype(jnp.float32)
    ranked = rank * mc

    rels = []
    fvs = []
    for k in range(1, _KSLOTS + 1):
        ek = (ranked == jnp.bfloat16(k)).astype(jnp.bfloat16)
        g_hi = jax.lax.dot_general(ek, rf_hi, (((1,), (0,)), ((), ())),
                                   preferred_element_type=jnp.float32)
        g_lo = jax.lax.dot_general(ek, rf_lo, (((1,), (0,)), ((), ())),
                                   preferred_element_type=jnp.float32)
        g = g_hi + g_lo
        rels.append(g[:, 0:3] - q)
        fvs.append(g[:, 3:6])

    rel_all = jnp.concatenate(rels, axis=0)
    fv_all = jnp.concatenate(fvs, axis=0)

    d1 = lambda a, bref: jax.lax.dot_general(
        a.astype(jnp.bfloat16), bref[...].astype(jnp.bfloat16),
        (((1,), (0,)), ((), ())), preferred_element_type=jnp.float32)
    h = jax.nn.gelu(d1(rel_all, w1_ref) + b1_ref[...])
    h = jax.nn.gelu(d1(h, w2_ref) + b2_ref[...])
    kern = d1(h, w3_ref) + b3_ref[...]

    contrib = kern * fv_all
    acc = jnp.zeros((_QBLK, 3), jnp.float32)
    for k in range(_KSLOTS):
        acc = acc + contrib[k * _QBLK:(k + 1) * _QBLK, :]
    out_ref[...] = acc / jnp.maximum(cnt, 1.0)


@jax.jit
def kernel(rom_ic, fom_ic, rom_f, W1, b1, W2, b2, W3, b3):
    rorder = jnp.argsort(rom_ic[:, 0])
    rom_s = jnp.take(rom_ic, rorder, axis=0)
    f_s = jnp.take(rom_f, rorder, axis=0)
    qorder = jnp.argsort(fom_ic[:, 0])
    q_s = jnp.take(fom_ic, qorder, axis=0)

    romx = rom_s.T
    rf = jnp.concatenate([rom_s, f_s], axis=1)

    nblk = _N_FOM // _QBLK
    qmin = q_s[:: _QBLK, 0] - jnp.float32(_RADIUS)
    starts = jnp.searchsorted(rom_s[:, 0], qmin).astype(jnp.int32)
    starts = (starts // 128) * 128
    starts = jnp.clip(starts, 0, _N_ROM - _W)

    b1r = b1.reshape(1, -1)
    b2r = b2.reshape(1, -1)
    b3r = b3.reshape(1, -1)

    grid_spec = pltpu.PrefetchScalarGridSpec(
        num_scalar_prefetch=1,
        grid=(nblk,),
        in_specs=[
            pl.BlockSpec((_QBLK, 3), lambda i, s: (i, 0)),
            pl.BlockSpec((3, _N_ROM), lambda i, s: (0, 0)),
            pl.BlockSpec((_N_ROM, 6), lambda i, s: (0, 0)),
            pl.BlockSpec(W1.shape, lambda i, s: (0, 0)),
            pl.BlockSpec(b1r.shape, lambda i, s: (0, 0)),
            pl.BlockSpec(W2.shape, lambda i, s: (0, 0)),
            pl.BlockSpec(b2r.shape, lambda i, s: (0, 0)),
            pl.BlockSpec(W3.shape, lambda i, s: (0, 0)),
            pl.BlockSpec(b3r.shape, lambda i, s: (0, 0)),
        ],
        out_specs=pl.BlockSpec((_QBLK, 3), lambda i, s: (i, 0)),
    )

    out_sorted = pl.pallas_call(
        _block_kernel,
        grid_spec=grid_spec,
        out_shape=jax.ShapeDtypeStruct((_N_FOM, 3), jnp.float32),
    )(starts, q_s, romx, rf, W1, b1r, W2, b2r, W3, b3r)

    inv = jnp.argsort(qorder)
    return jnp.take(out_sorted, inv, axis=0)

# --- scband reference (transcript-rebuilt; emitter-appended) ---
"""Pipeline reference for scband-physics-engine-45664092291394 (READ-ONLY COPY).

The authoritative reference and input builder live on the scoring server;
editing this copy changes nothing except your own understanding.
"""

import jax, jax.numpy as jnp
import numpy as np

RADIUS = 0.025
K = 32  # max neighbors within radius (uniform cube => ~2 expected, 32 is ample)
CHUNK = 1024
N_ROM = 32768
N_FOM = 16384
DIM = 3


def setup_inputs(seed: int = 0) -> dict:
    key = jax.random.key(seed)
    ks = jax.random.split(key, 9)
    rom_ic = jax.random.uniform(ks[0], (N_ROM, DIM), dtype=jnp.float32)
    fom_ic = jax.random.uniform(ks[1], (N_FOM, DIM), dtype=jnp.float32)
    rom_f = jax.random.normal(ks[2], (N_ROM, DIM), dtype=jnp.float32)
    # kernel MLP: layers [3, 128, 256, 3] per gno_mlp_hidden_layers with kernel_in_dim=3 prepended and dim=3 appended
    W1 = jax.random.normal(ks[3], (3, 128), dtype=jnp.float32) * (1.0 / np.sqrt(3))
    b1 = jnp.zeros((128,), dtype=jnp.float32)
    W2 = jax.random.normal(ks[4], (128, 256), dtype=jnp.float32) * (1.0 / np.sqrt(128))
    b2 = jnp.zeros((256,), dtype=jnp.float32)
    W3 = jax.random.normal(ks[5], (256, 3), dtype=jnp.float32) * (1.0 / np.sqrt(256))
    b3 = jnp.zeros((3,), dtype=jnp.float32)
    return {"rom_ic": rom_ic, "fom_ic": fom_ic, "rom_f": rom_f,
            "W1": W1, "b1": b1, "W2": W2, "b2": b2, "W3": W3, "b3": b3}


def _kernel_mlp(h, W1, b1, W2, b2, W3, b3):
    h = jax.nn.gelu(h @ W1 + b1)
    h = jax.nn.gelu(h @ W2 + b2)
    return h @ W3 + b3


def reference(rom_ic, fom_ic, rom_f, W1, b1, W2, b2, W3, b3):
    # NeighborSearch: for each query x in fom_ic, find rom_ic points within RADIUS
    # (implemented as capped top-K nearest + radius mask, fixed-size for jax).
    # IntegralTransform (transform_type='linear'):
    #   out(x) = mean_{y in nbrs(x)} k(y - x) * f(y),  k = MLP (kernel_in_dim = 3)
    outs = []
    r2 = jnp.float32(RADIUS * RADIUS)
    for s in range(0, N_FOM, CHUNK):
        x = fom_ic[s:s + CHUNK]  # [C, 3]
        d2 = jnp.sum((x[:, None, :] - rom_ic[None, :, :]) ** 2, axis=-1)  # [C, N_ROM]
        neg_d2, idx = jax.lax.top_k(-d2, K)  # K nearest candidates
        mask = (-neg_d2) <= r2  # [C, K] within-radius
        y_nb = jnp.take(rom_ic, idx, axis=0)  # [C, K, 3] gather
        f_nb = jnp.take(rom_f, idx, axis=0)   # [C, K, 3] gather
        rel = y_nb - x[:, None, :]            # kernel input, 3 dims
        kern = _kernel_mlp(rel, W1, b1, W2, b2, W3, b3)  # [C, K, 3]
        contrib = kern * f_nb * mask[..., None].astype(jnp.float32)
        cnt = jnp.maximum(jnp.sum(mask, axis=-1, keepdims=True).astype(jnp.float32), 1.0)
        outs.append(jnp.sum(contrib, axis=1) / cnt)
    return jnp.concatenate(outs, axis=0)  # [N_FOM, 3]

if __name__ == "__main__":
    import jax
    _d = setup_inputs()
    print(jax.jit(kernel)(*tuple(_d.values())))

</pallas_src>

<mosaic_0001>
module attributes {stable_mosaic.version = 14 : i64} {
  func.func @_block_kernel(%arg0: i32, %arg1: memref<64xi32, #tpu.memory_space<smem>>, %arg2: memref<256x3xf32, #tpu.memory_space<vmem>>, %arg3: memref<3x32768xf32, #tpu.memory_space<vmem>>, %arg4: memref<32768x6xf32, #tpu.memory_space<vmem>>, %arg5: memref<3x128xf32, #tpu.memory_space<vmem>>, %arg6: memref<1x128xf32, #tpu.memory_space<vmem>>, %arg7: memref<128x256xf32, #tpu.memory_space<vmem>>, %arg8: memref<1x256xf32, #tpu.memory_space<vmem>>, %arg9: memref<256x3xf32, #tpu.memory_space<vmem>>, %arg10: memref<1x3xf32, #tpu.memory_space<vmem>>, %arg11: memref<256x3xf32, #tpu.memory_space<vmem>>) attributes {dimension_semantics = [#tpu.dimension_semantics<arbitrary>], iteration_bounds = array<i64: 64>, scalar_prefetch = 1 : i64, scratch_operands = 0 : i64, tpu.core_type = #tpu.core_type<tc>, window_params = [{transform_indices = @transform_0, window_bounds = array<i64: 256, 3>}, {pipeline_mode = #tpu.pipeline_mode<synchronous>, transform_indices = @transform_1, window_bounds = array<i64: 3, 32768>}, {pipeline_mode = #tpu.pipeline_mode<synchronous>, transform_indices = @transform_2, window_bounds = array<i64: 32768, 6>}, {pipeline_mode = #tpu.pipeline_mode<synchronous>, transform_indices = @transform_3, window_bounds = array<i64: 3, 128>}, {pipeline_mode = #tpu.pipeline_mode<synchronous>, transform_indices = @transform_4, window_bounds = array<i64: 1, 128>}, {pipeline_mode = #tpu.pipeline_mode<synchronous>, transform_indices = @transform_5, window_bounds = array<i64: 128, 256>}, {pipeline_mode = #tpu.pipeline_mode<synchronous>, transform_indices = @transform_6, window_bounds = array<i64: 1, 256>}, {pipeline_mode = #tpu.pipeline_mode<synchronous>, transform_indices = @transform_7, window_bounds = array<i64: 256, 3>}, {pipeline_mode = #tpu.pipeline_mode<synchronous>, transform_indices = @transform_8, window_bounds = array<i64: 1, 3>}, {transform_indices = @transform_9, window_bounds = array<i64: 256, 3>}]} {
    %get3A = arith.index_cast %arg0 : i32 to index
    %get3A_0 = memref.load %arg1[%get3A] : memref<64xi32, #tpu.memory_space<smem>>
    %multiple_of3A = tpu.assume_multiple %get3A_0, 128 : i32
    %get3A_1 = arith.constant 0 : index
    %get3A_2 = arith.constant 0 : index
    %get3A_3 = vector.load %arg2[%get3A_1, %get3A_2] : memref<256x3xf32, #tpu.memory_space<vmem>>, vector<256x3xf32>
    %get3A_4 = arith.constant 0 : index
    %get3A_5 = arith.index_cast %multiple_of3A : i32 to index
    %get3A_6 = vector.load %arg3[%get3A_4, %get3A_5] : memref<3x32768xf32, #tpu.memory_space<vmem>>, vector<3x2816xf32>
    %get3A_7 = arith.index_cast %multiple_of3A : i32 to index
    %get3A_8 = arith.constant 0 : index
    %get3A_9 = vector.load %arg4[%get3A_7, %get3A_8] : memref<32768x6xf32, #tpu.memory_space<vmem>>, vector<2816x6xf32>
    %broadcast_in_dim3A = arith.constant 0.000000e+00 : f32
    %broadcast_in_dim3A_10 = vector.broadcast %broadcast_in_dim3A : f32 to vector<256x2816xf32>
    %slice3A = vector.extract_strided_slice %get3A_3 {offsets = [0, 0], sizes = [256, 1], strides = [1, 1]} : vector<256x3xf32> to vector<256x1xf32>
    %slice3A_11 = vector.extract_strided_slice %get3A_6 {offsets = [0, 0], sizes = [1, 2816], strides = [1, 1]} : vector<3x2816xf32> to vector<1x2816xf32>
    %sub3A = vector.broadcast %slice3A : vector<256x1xf32> to vector<256x2816xf32>
    %sub3A_12 = vector.broadcast %slice3A_11 : vector<1x2816xf32> to vector<256x2816xf32>
    %sub3A_13 = arith.subf %sub3A, %sub3A_12 : vector<256x2816xf32>
    %mul3A = arith.mulf %sub3A_13, %sub3A_13 : vector<256x2816xf32>
    %add3A = arith.addf %broadcast_in_dim3A_10, %mul3A : vector<256x2816xf32>
    %slice3A_14 = vector.extract_strided_slice %get3A_3 {offsets = [0, 1], sizes = [256, 1], strides = [1, 1]} : vector<256x3xf32> to vector<256x1xf32>
    %slice3A_15 = vector.extract_strided_slice %get3A_6 {offsets = [1, 0], sizes = [1, 2816], strides = [1, 1]} : vector<3x2816xf32> to vector<1x2816xf32>
    %sub3A_16 = vector.broadcast %slice3A_14 : vector<256x1xf32> to vector<256x2816xf32>
    %sub3A_17 = vector.broadcast %slice3A_15 : vector<1x2816xf32> to vector<256x2816xf32>
    %sub3A_18 = arith.subf %sub3A_16, %sub3A_17 : vector<256x2816xf32>
    %mul3A_19 = arith.mulf %sub3A_18, %sub3A_18 : vector<256x2816xf32>
    %add3A_20 = arith.addf %add3A, %mul3A_19 : vector<256x2816xf32>
    %slice3A_21 = vector.extract_strided_slice %get3A_3 {offsets = [0, 2], sizes = [256, 1], strides = [1, 1]} : vector<256x3xf32> to vector<256x1xf32>
    %slice3A_22 = vector.extract_strided_slice %get3A_6 {offsets = [2, 0], sizes = [1, 2816], strides = [1, 1]} : vector<3x2816xf32> to vector<1x2816xf32>
    %sub3A_23 = vector.broadcast %slice3A_21 : vector<256x1xf32> to vector<256x2816xf32>
    %sub3A_24 = vector.broadcast %slice3A_22 : vector<1x2816xf32> to vector<256x2816xf32>
    %sub3A_25 = arith.subf %sub3A_23, %sub3A_24 : vector<256x2816xf32>
    %mul3A_26 = arith.mulf %sub3A_25, %sub3A_25 : vector<256x2816xf32>
    %add3A_27 = arith.addf %add3A_20, %mul3A_26 : vector<256x2816xf32>
    %le3A = arith.constant 6.250000e-04 : f32
    %le3A_28 = vector.broadcast %le3A : f32 to vector<256x2816xf32>
    %le3A_29 = arith.cmpf ole, %add3A_27, %le3A_28 : vector<256x2816xf32>
    %convert_element_type3A = arith.extui %le3A_29 : vector<256x2816xi1> to vector<256x2816xi32>
    %convert_element_type3A_30 = arith.sitofp %convert_element_type3A : vector<256x2816xi32> to vector<256x2816xf32>
    %convert_element_type3A_31 = arith.truncf %convert_element_type3A_30 : vector<256x2816xf32> to vector<256x2816xbf16>
    %reduce_max3A = arith.constant dense<0xFF80> : vector<2816xbf16>
    %reduce_max3A_32 = vector.multi_reduction <maximumf>, %convert_element_type3A_31, %reduce_max3A [0] : vector<256x2816xbf16> to vector<2816xbf16>
    %broadcast_in_dim3A_33 = vector.shape_cast %reduce_max3A_32 : vector<2816xbf16> to vector<1x2816xbf16>
    %convert_element_type3A_34 = arith.extf %broadcast_in_dim3A_33 : vector<1x2816xbf16> to vector<1x2816xf32>
    %broadcast_in_dim3A_35 = arith.constant 0.000000e+00 : f32
    %broadcast_in_dim3A_36 = vector.broadcast %broadcast_in_dim3A_35 : f32 to vector<1x1xf32>
    %slice3A_37 = vector.extract_strided_slice %convert_element_type3A_34 {offsets = [0, 0], sizes = [1, 2815], strides = [1, 1]} : vector<1x2816xf32> to vector<1x2815xf32>
    %concatenate3A = tpu.concatenate %broadcast_in_dim3A_36, %slice3A_37 in 1 : vector<1x1xf32>, vector<1x2815xf32> -> vector<1x2816xf32>
    %add3A_38 = arith.addf %convert_element_type3A_34, %concatenate3A : vector<1x2816xf32>
    %broadcast_in_dim3A_39 = arith.constant 0.000000e+00 : f32
    %broadcast_in_dim3A_40 = vector.broadcast %broadcast_in_dim3A_39 : f32 to vector<1x2xf32>
    %slice3A_41 = vector.extract_strided_slice %add3A_38 {offsets = [0, 0], sizes = [1, 2814], strides = [1, 1]} : vector<1x2816xf32> to vector<1x2814xf32>
    %concatenate3A_42 = tpu.concatenate %broadcast_in_dim3A_40, %slice3A_41 in 1 : vector<1x2xf32>, vector<1x2814xf32> -> vector<1x2816xf32>
    %add3A_43 = arith.addf %add3A_38, %concatenate3A_42 : vector<1x2816xf32>
    %broadcast_in_dim3A_44 = arith.constant 0.000000e+00 : f32
    %broadcast_in_dim3A_45 = vector.broadcast %broadcast_in_dim3A_44 : f32 to vector<1x4xf32>
    %slice3A_46 = vector.extract_strided_slice %add3A_43 {offsets = [0, 0], sizes = [1, 2812], strides = [1, 1]} : vector<1x2816xf32> to vector<1x2812xf32>
    %concatenate3A_47 = tpu.concatenate %broadcast_in_dim3A_45, %slice3A_46 in 1 : vector<1x4xf32>, vector<1x2812xf32> -> vector<1x2816xf32>
    %add3A_48 = arith.addf %add3A_43, %concatenate3A_47 : vector<1x2816xf32>
    %broadcast_in_dim3A_49 = arith.constant 0.000000e+00 : f32
    %broadcast_in_dim3A_50 = vector.broadcast %broadcast_in_dim3A_49 : f32 to vector<1x8xf32>
    %slice3A_51 = vector.extract_strided_slice %add3A_48 {offsets = [0, 0], sizes = [1, 2808], strides = [1, 1]} : vector<1x2816xf32> to vector<1x2808xf32>
    %concatenate3A_52 = tpu.concatenate %broadcast_in_dim3A_50, %slice3A_51 in 1 : vector<1x8xf32>, vector<1x2808xf32> -> vector<1x2816xf32>
    %add3A_53 = arith.addf %add3A_48, %concatenate3A_52 : vector<1x2816xf32>
    %broadcast_in_dim3A_54 = arith.constant 0.000000e+00 : f32
    %broadcast_in_dim3A_55 = vector.broadcast %broadcast_in_dim3A_54 : f32 to vector<1x16xf32>
    %slice3A_56 = vector.extract_strided_slice %add3A_53 {offsets = [0, 0], sizes = [1, 2800], strides = [1, 1]} : vector<1x2816xf32> to vector<1x2800xf32>
    %concatenate3A_57 = tpu.concatenate %broadcast_in_dim3A_55, %slice3A_56 in 1 : vector<1x16xf32>, vector<1x2800xf32> -> vector<1x2816xf32>
    %add3A_58 = arith.addf %add3A_53, %concatenate3A_57 : vector<1x2816xf32>
    %broadcast_in_dim3A_59 = arith.constant 0.000000e+00 : f32
    %broadcast_in_dim3A_60 = vector.broadcast %broadcast_in_dim3A_59 : f32 to vector<1x32xf32>
    %slice3A_61 = vector.extract_strided_slice %add3A_58 {offsets = [0, 0], sizes = [1, 2784], strides = [1, 1]} : vector<1x2816xf32> to vector<1x2784xf32>
    %concatenate3A_62 = tpu.concatenate %broadcast_in_dim3A_60, %slice3A_61 in 1 : vector<1x32xf32>, vector<1x2784xf32> -> vector<1x2816xf32>
    %add3A_63 = arith.addf %add3A_58, %concatenate3A_62 : vector<1x2816xf32>
    %broadcast_in_dim3A_64 = arith.constant 0.000000e+00 : f32
    %broadcast_in_dim3A_65 = vector.broadcast %broadcast_in_dim3A_64 : f32 to vector<1x64xf32>
    %slice3A_66 = vector.extract_strided_slice %add3A_63 {offsets = [0, 0], sizes = [1, 2752], strides = [1, 1]} : vector<1x2816xf32> to vector<1x2752xf32>
    %concatenate3A_67 = tpu.concatenate %broadcast_in_dim3A_65, %slice3A_66 in 1 : vector<1x64xf32>, vector<1x2752xf32> -> vector<1x2816xf32>
    %add3A_68 = arith.addf %add3A_63, %concatenate3A_67 : vector<1x2816xf32>
    %broadcast_in_dim3A_69 = arith.constant 0.000000e+00 : f32
    %broadcast_in_dim3A_70 = vector.broadcast %broadcast_in_dim3A_69 : f32 to vector<1x128xf32>
    %slice3A_71 = vector.extract_strided_slice %add3A_68 {offsets = [0, 0], sizes = [1, 2688], strides = [1, 1]} : vector<1x2816xf32> to vector<1x2688xf32>
    %concatenate3A_72 = tpu.concatenate %broadcast_in_dim3A_70, %slice3A_71 in 1 : vector<1x128xf32>, vector<1x2688xf32> -> vector<1x2816xf32>
    %add3A_73 = arith.addf %add3A_68, %concatenate3A_72 : vector<1x2816xf32>
    %broadcast_in_dim3A_74 = arith.constant 0.000000e+00 : f32
    %broadcast_in_dim3A_75 = vector.broadcast %broadcast_in_dim3A_74 : f32 to vector<1x256xf32>
    %slice3A_76 = vector.extract_strided_slice %add3A_73 {offsets = [0, 0], sizes = [1, 2560], strides = [1, 1]} : vector<1x2816xf32> to vector<1x2560xf32>
    %concatenate3A_77 = tpu.concatenate %broadcast_in_dim3A_75, %slice3A_76 in 1 : vector<1x256xf32>, vector<1x2560xf32> -> vector<1x2816xf32>
    %add3A_78 = arith.addf %add3A_73, %concatenate3A_77 : vector<1x2816xf32>
    %broadcast_in_dim3A_79 = arith.constant 0.000000e+00 : f32
    %broadcast_in_dim3A_80 = vector.broadcast %broadcast_in_dim3A_79 : f32 to vector<1x512xf32>
    %slice3A_81 = vector.extract_strided_slice %add3A_78 {offsets = [0, 0], sizes = [1, 2304], strides = [1, 1]} : vector<1x2816xf32> to vector<1x2304xf32>
    %concatenate3A_82 = tpu.concatenate %broadcast_in_dim3A_80, %slice3A_81 in 1 : vector<1x512xf32>, vector<1x2304xf32> -> vector<1x2816xf32>
    %add3A_83 = arith.addf %add3A_78, %concatenate3A_82 : vector<1x2816xf32>
    %broadcast_in_dim3A_84 = arith.constant 0.000000e+00 : f32
    %broadcast_in_dim3A_85 = vector.broadcast %broadcast_in_dim3A_84 : f32 to vector<1x1024xf32>
    %slice3A_86 = vector.extract_strided_slice %add3A_83 {offsets = [0, 0], sizes = [1, 1792], strides = [1, 1]} : vector<1x2816xf32> to vector<1x1792xf32>
    %concatenate3A_87 = tpu.concatenate %broadcast_in_dim3A_85, %slice3A_86 in 1 : vector<1x1024xf32>, vector<1x1792xf32> -> vector<1x2816xf32>
    %add3A_88 = arith.addf %add3A_83, %concatenate3A_87 : vector<1x2816xf32>
    %broadcast_in_dim3A_89 = arith.constant 0.000000e+00 : f32
    %broadcast_in_dim3A_90 = vector.broadcast %broadcast_in_dim3A_89 : f32 to vector<1x2048xf32>
    %slice3A_91 = vector.extract_strided_slice %add3A_88 {offsets = [0, 0], sizes = [1, 768], strides = [1, 1]} : vector<1x2816xf32> to vector<1x768xf32>
    %concatenate3A_92 = tpu.concatenate %broadcast_in_dim3A_90, %slice3A_91 in 1 : vector<1x2048xf32>, vector<1x768xf32> -> vector<1x2816xf32>
    %add3A_93 = arith.addf %add3A_88, %concatenate3A_92 : vector<1x2816xf32>
    %iota3A = tpu.iota {dimensions = array<i32: 0>} : vector<768x1xi32>
    %convert_element_type3A_94 = arith.sitofp %iota3A : vector<768x1xi32> to vector<768x1xf32>
    %add3A_95 = arith.constant 1.000000e+00 : f32
    %add3A_96 = vector.broadcast %add3A_95 : f32 to vector<768x1xf32>
    %add3A_97 = arith.addf %convert_element_type3A_94, %add3A_96 : vector<768x1xf32>
    %eq3A = vector.broadcast %add3A_93 : vector<1x2816xf32> to vector<768x2816xf32>
    %eq3A_98 = vector.broadcast %add3A_97 : vector<768x1xf32> to vector<768x2816xf32>
    %eq3A_99 = arith.cmpf oeq, %eq3A, %eq3A_98 : vector<768x2816xf32>
    %gt3A = arith.constant 0.000000e+00 : bf16
    %gt3A_100 = vector.broadcast %gt3A : bf16 to vector<1x2816xbf16>
    %gt3A_101 = arith.cmpf ogt, %broadcast_in_dim3A_33, %gt3A_100 : vector<1x2816xbf16>
    %and3A = vector.broadcast %gt3A_101 : vector<1x2816xi1> to vector<768x2816xi1>
    %and3A_102 = arith.andi %eq3A_99, %and3A : vector<768x2816xi1>
    %jit3A = arith.constant 1.000000e+00 : f32
    %jit3A_103 = arith.constant 0.000000e+00 : f32
    %broadcast_in_dim3A_104 = vector.broadcast %jit3A : f32 to vector<768x2816xf32>
    %broadcast_in_dim3A_105 = vector.broadcast %jit3A_103 : f32 to vector<768x2816xf32>
    %select_n3A = arith.select %and3A_102, %broadcast_in_dim3A_104, %broadcast_in_dim3A_105 : vector<768x2816xi1>, vector<768x2816xf32>
    %convert_element_type3A_106 = arith.truncf %select_n3A : vector<768x2816xf32> to vector<768x2816xbf16>
    %dot_general3A = arith.constant dense<0.000000e+00> : vector<256x768xf32>
    %dot_general3A_107 = tpu.matmul %convert_element_type3A_31, %convert_element_type3A_106, %dot_general3A {dimension_numbers = #tpu.dot_dimension_numbers<[1], [1], [0], [0], [0, 0, 1, 0], [], []>, transpose_lhs_hint = false} : vector<256x2816xbf16>, vector<768x2816xbf16>, vector<256x768xf32> -> vector<256x768xf32>
    %convert_element_type3A_108 = arith.truncf %dot_general3A_107 : vector<256x768xf32> to vector<256x768xbf16>
    %convert_element_type3A_109 = arith.truncf %get3A_9 : vector<2816x6xf32> to vector<2816x6xbf16>
    %dot_general3A_110 = arith.constant dense<0.000000e+00> : vector<768x6xf32>
    %dot_general3A_111 = tpu.matmul %convert_element_type3A_106, %convert_element_type3A_109, %dot_general3A_110 {dimension_numbers = #tpu.dot_dimension_numbers<[1], [0], [0], [1], [0, 0, 1, 1], [], []>, transpose_lhs_hint = false} : vector<768x2816xbf16>, vector<2816x6xbf16>, vector<768x6xf32> -> vector<768x6xf32>
    %convert_element_type3A_112 = arith.truncf %dot_general3A_111 : vector<768x6xf32> to vector<768x6xbf16>
    %convert_element_type3A_113 = arith.truncf %get3A_9 : vector<2816x6xf32> to vector<2816x6xbf16>
    %convert_element_type3A_114 = arith.extf %convert_element_type3A_113 : vector<2816x6xbf16> to vector<2816x6xf32>
    %sub3A_115 = arith.subf %get3A_9, %convert_element_type3A_114 : vector<2816x6xf32>
    %convert_element_type3A_116 = arith.truncf %sub3A_115 : vector<2816x6xf32> to vector<2816x6xbf16>
    %dot_general3A_117 = arith.constant dense<0.000000e+00> : vector<768x6xf32>
    %dot_general3A_118 = tpu.matmul %convert_element_type3A_106, %convert_element_type3A_116, %dot_general3A_117 {dimension_numbers = #tpu.dot_dimension_numbers<[1], [0], [0], [1], [0, 0, 1, 1], [], []>, transpose_lhs_hint = false} : vector<768x2816xbf16>, vector<2816x6xbf16>, vector<768x6xf32> -> vector<768x6xf32>
    %convert_element_type3A_119 = arith.truncf %dot_general3A_118 : vector<768x6xf32> to vector<768x6xbf16>
    %broadcast_in_dim3A_120 = arith.constant 0.000000e+00 : bf16
    %broadcast_in_dim3A_121 = vector.broadcast %broadcast_in_dim3A_120 : bf16 to vector<256x1xbf16>
    %slice3A_122 = vector.extract_strided_slice %convert_element_type3A_108 {offsets = [0, 0], sizes = [256, 767], strides = [1, 1]} : vector<256x768xbf16> to vector<256x767xbf16>
    %concatenate3A_123 = tpu.concatenate %broadcast_in_dim3A_121, %slice3A_122 in 1 : vector<256x1xbf16>, vector<256x767xbf16> -> vector<256x768xbf16>
    %add3A_124 = arith.addf %convert_element_type3A_108, %concatenate3A_123 : vector<256x768xbf16>
    %broadcast_in_dim3A_125 = arith.constant 0.000000e+00 : bf16
    %broadcast_in_dim3A_126 = vector.broadcast %broadcast_in_dim3A_125 : bf16 to vector<256x2xbf16>
    %slice3A_127 = vector.extract_strided_slice %add3A_124 {offsets = [0, 0], sizes = [256, 766], strides = [1, 1]} : vector<256x768xbf16> to vector<256x766xbf16>
    %concatenate3A_128 = tpu.concatenate %broadcast_in_dim3A_126, %slice3A_127 in 1 : vector<256x2xbf16>, vector<256x766xbf16> -> vector<256x768xbf16>
    %add3A_129 = arith.addf %add3A_124, %concatenate3A_128 : vector<256x768xbf16>
    %broadcast_in_dim3A_130 = arith.constant 0.000000e+00 : bf16
    %broadcast_in_dim3A_131 = vector.broadcast %broadcast_in_dim3A_130 : bf16 to vector<256x4xbf16>
    %slice3A_132 = vector.extract_strided_slice %add3A_129 {offsets = [0, 0], sizes = [256, 764], strides = [1, 1]} : vector<256x768xbf16> to vector<256x764xbf16>
    %concatenate3A_133 = tpu.concatenate %broadcast_in_dim3A_131, %slice3A_132 in 1 : vector<256x4xbf16>, vector<256x764xbf16> -> vector<256x768xbf16>
    %add3A_134 = arith.addf %add3A_129, %concatenate3A_133 : vector<256x768xbf16>
    %broadcast_in_dim3A_135 = arith.constant 0.000000e+00 : bf16
    %broadcast_in_dim3A_136 = vector.broadcast %broadcast_in_dim3A_135 : bf16 to vector<256x8xbf16>
    %slice3A_137 = vector.extract_strided_slice %add3A_134 {offsets = [0, 0], sizes = [256, 760], strides = [1, 1]} : vector<256x768xbf16> to vector<256x760xbf16>
    %concatenate3A_138 = tpu.concatenate %broadcast_in_dim3A_136, %slice3A_137 in 1 : vector<256x8xbf16>, vector<256x760xbf16> -> vector<256x768xbf16>
    %add3A_139 = arith.addf %add3A_134, %concatenate3A_138 : vector<256x768xbf16>
    %broadcast_in_dim3A_140 = arith.constant 0.000000e+00 : bf16
    %broadcast_in_dim3A_141 = vector.broadcast %broadcast_in_dim3A_140 : bf16 to vector<256x16xbf16>
    %slice3A_142 = vector.extract_strided_slice %add3A_139 {offsets = [0, 0], sizes = [256, 752], strides = [1, 1]} : vector<256x768xbf16> to vector<256x752xbf16>
    %concatenate3A_143 = tpu.concatenate %broadcast_in_dim3A_141, %slice3A_142 in 1 : vector<256x16xbf16>, vector<256x752xbf16> -> vector<256x768xbf16>
    %add3A_144 = arith.addf %add3A_139, %concatenate3A_143 : vector<256x768xbf16>
    %broadcast_in_dim3A_145 = arith.constant 0.000000e+00 : bf16
    %broadcast_in_dim3A_146 = vector.broadcast %broadcast_in_dim3A_145 : bf16 to vector<256x32xbf16>
    %slice3A_147 = vector.extract_strided_slice %add3A_144 {offsets = [0, 0], sizes = [256, 736], strides = [1, 1]} : vector<256x768xbf16> to vector<256x736xbf16>
    %concatenate3A_148 = tpu.concatenate %broadcast_in_dim3A_146, %slice3A_147 in 1 : vector<256x32xbf16>, vector<256x736xbf16> -> vector<256x768xbf16>
    %add3A_149 = arith.addf %add3A_144, %concatenate3A_148 : vector<256x768xbf16>
    %broadcast_in_dim3A_150 = arith.constant 0.000000e+00 : bf16
    %broadcast_in_dim3A_151 = vector.broadcast %broadcast_in_dim3A_150 : bf16 to vector<256x64xbf16>
    %slice3A_152 = vector.extract_strided_slice %add3A_149 {offsets = [0, 0], sizes = [256, 704], strides = [1, 1]} : vector<256x768xbf16> to vector<256x704xbf16>
    %concatenate3A_153 = tpu.concatenate %broadcast_in_dim3A_151, %slice3A_152 in 1 : vector<256x64xbf16>, vector<256x704xbf16> -> vector<256x768xbf16>
    %add3A_154 = arith.addf %add3A_149, %concatenate3A_153 : vector<256x768xbf16>
    %broadcast_in_dim3A_155 = arith.constant 0.000000e+00 : bf16
    %broadcast_in_dim3A_156 = vector.broadcast %broadcast_in_dim3A_155 : bf16 to vector<256x128xbf16>
    %slice3A_157 = vector.extract_strided_slice %add3A_154 {offsets = [0, 0], sizes = [256, 640], strides = [1, 1]} : vector<256x768xbf16> to vector<256x640xbf16>
    %concatenate3A_158 = tpu.concatenate %broadcast_in_dim3A_156, %slice3A_157 in 1 : vector<256x128xbf16>, vector<256x640xbf16> -> vector<256x768xbf16>
    %add3A_159 = arith.addf %add3A_154, %concatenate3A_158 : vector<256x768xbf16>
    %broadcast_in_dim3A_160 = arith.constant 0.000000e+00 : bf16
    %broadcast_in_dim3A_161 = vector.broadcast %broadcast_in_dim3A_160 : bf16 to vector<256x256xbf16>
    %slice3A_162 = vector.extract_strided_slice %add3A_159 {offsets = [0, 0], sizes = [256, 512], strides = [1, 1]} : vector<256x768xbf16> to vector<256x512xbf16>
    %concatenate3A_163 = tpu.concatenate %broadcast_in_dim3A_161, %slice3A_162 in 1 : vector<256x256xbf16>, vector<256x512xbf16> -> vector<256x768xbf16>
    %add3A_164 = arith.addf %add3A_159, %concatenate3A_163 : vector<256x768xbf16>
    %broadcast_in_dim3A_165 = arith.constant 0.000000e+00 : bf16
    %broadcast_in_dim3A_166 = vector.broadcast %broadcast_in_dim3A_165 : bf16 to vector<256x512xbf16>
    %slice3A_167 = vector.extract_strided_slice %add3A_164 {offsets = [0, 0], sizes = [256, 256], strides = [1, 1]} : vector<256x768xbf16> to vector<256x256xbf16>
    %concatenate3A_168 = tpu.concatenate %broadcast_in_dim3A_166, %slice3A_167 in 1 : vector<256x512xbf16>, vector<256x256xbf16> -> vector<256x768xbf16>
    %add3A_169 = arith.addf %add3A_164, %concatenate3A_168 : vector<256x768xbf16>
    %slice3A_170 = vector.extract_strided_slice %add3A_169 {offsets = [0, 767], sizes = [256, 1], strides = [1, 1]} : vector<256x768xbf16> to vector<256x1xbf16>
    %convert_element_type3A_171 = arith.extf %slice3A_170 : vector<256x1xbf16> to vector<256x1xf32>
    %mul3A_172 = arith.mulf %add3A_169, %convert_element_type3A_108 : vector<256x768xbf16>
    %eq3A_173 = arith.constant 1.000000e+00 : bf16
    %eq3A_174 = vector.broadcast %eq3A_173 : bf16 to vector<256x768xbf16>
    %eq3A_175 = arith.cmpf oeq, %mul3A_172, %eq3A_174 : vector<256x768xbf16>
    %convert_element_type3A_176 = arith.extui %eq3A_175 : vector<256x768xi1> to vector<256x768xi32>
    %convert_element_type3A_177 = arith.sitofp %convert_element_type3A_176 : vector<256x768xi32> to vector<256x768xf32>
    %convert_element_type3A_178 = arith.truncf %convert_element_type3A_177 : vector<256x768xf32> to vector<256x768xbf16>
    %dot_general3A_179 = arith.constant dense<0.000000e+00> : vector<256x6xf32>
    %dot_general3A_180 = tpu.matmul %convert_element_type3A_178, %convert_element_type3A_112, %dot_general3A_179 {dimension_numbers = #tpu.dot_dimension_numbers<[1], [0], [0], [1], [0, 0, 1, 1], [], []>, transpose_lhs_hint = false} : vector<256x768xbf16>, vector<768x6xbf16>, vector<256x6xf32> -> vector<256x6xf32>
    %dot_general3A_181 = arith.constant dense<0.000000e+00> : vector<256x6xf32>
    %dot_general3A_182 = tpu.matmul %convert_element_type3A_178, %convert_element_type3A_119, %dot_general3A_181 {dimension_numbers = #tpu.dot_dimension_numbers<[1], [0], [0], [1], [0, 0, 1, 1], [], []>, transpose_lhs_hint = false} : vector<256x768xbf16>, vector<768x6xbf16>, vector<256x6xf32> -> vector<256x6xf32>
    %add3A_183 = arith.addf %dot_general3A_180, %dot_general3A_182 : vector<256x6xf32>
    %slice3A_184 = vector.extract_strided_slice %add3A_183 {offsets = [0, 0], sizes = [256, 3], strides = [1, 1]} : vector<256x6xf32> to vector<256x3xf32>
    %sub3A_185 = arith.subf %slice3A_184, %get3A_3 : vector<256x3xf32>
    %slice3A_186 = vector.extract_strided_slice %add3A_183 {offsets = [0, 3], sizes = [256, 3], strides = [1, 1]} : vector<256x6xf32> to vector<256x3xf32>
    %eq3A_187 = arith.constant 2.000000e+00 : bf16
    %eq3A_188 = vector.broadcast %eq3A_187 : bf16 to vector<256x768xbf16>
    %eq3A_189 = arith.cmpf oeq, %mul3A_172, %eq3A_188 : vector<256x768xbf16>
    %convert_element_type3A_190 = arith.extui %eq3A_189 : vector<256x768xi1> to vector<256x768xi32>
    %convert_element_type3A_191 = arith.sitofp %convert_element_type3A_190 : vector<256x768xi32> to vector<256x768xf32>
    %convert_element_type3A_192 = arith.truncf %convert_element_type3A_191 : vector<256x768xf32> to vector<256x768xbf16>
    %dot_general3A_193 = arith.constant dense<0.000000e+00> : vector<256x6xf32>
    %dot_general3A_194 = tpu.matmul %convert_element_type3A_192, %convert_element_type3A_112, %dot_general3A_193 {dimension_numbers = #tpu.dot_dimension_numbers<[1], [0], [0], [1], [0, 0, 1, 1], [], []>, transpose_lhs_hint = false} : vector<256x768xbf16>, vector<768x6xbf16>, vector<256x6xf32> -> vector<256x6xf32>
    %dot_general3A_195 = arith.constant dense<0.000000e+00> : vector<256x6xf32>
    %dot_general3A_196 = tpu.matmul %convert_element_type3A_192, %convert_element_type3A_119, %dot_general3A_195 {dimension_numbers = #tpu.dot_dimension_numbers<[1], [0], [0], [1], [0, 0, 1, 1], [], []>, transpose_lhs_hint = false} : vector<256x768xbf16>, vector<768x6xbf16>, vector<256x6xf32> -> vector<256x6xf32>
    %add3A_197 = arith.addf %dot_general3A_194, %dot_general3A_196 : vector<256x6xf32>
    %slice3A_198 = vector.extract_strided_slice %add3A_197 {offsets = [0, 0], sizes = [256, 3], strides = [1, 1]} : vector<256x6xf32> to vector<256x3xf32>
    %sub3A_199 = arith.subf %slice3A_198, %get3A_3 : vector<256x3xf32>
    %slice3A_200 = vector.extract_strided_slice %add3A_197 {offsets = [0, 3], sizes = [256, 3], strides = [1, 1]} : vector<256x6xf32> to vector<256x3xf32>
    %eq3A_201 = arith.constant 3.000000e+00 : bf16
    %eq3A_202 = vector.broadcast %eq3A_201 : bf16 to vector<256x768xbf16>
    %eq3A_203 = arith.cmpf oeq, %mul3A_172, %eq3A_202 : vector<256x768xbf16>
    %convert_element_type3A_204 = arith.extui %eq3A_203 : vector<256x768xi1> to vector<256x768xi32>
    %convert_element_type3A_205 = arith.sitofp %convert_element_type3A_204 : vector<256x768xi32> to vector<256x768xf32>
    %convert_element_type3A_206 = arith.truncf %convert_element_type3A_205 : vector<256x768xf32> to vector<256x768xbf16>
    %dot_general3A_207 = arith.constant dense<0.000000e+00> : vector<256x6xf32>
    %dot_general3A_208 = tpu.matmul %convert_element_type3A_206, %convert_element_type3A_112, %dot_general3A_207 {dimension_numbers = #tpu.dot_dimension_numbers<[1], [0], [0], [1], [0, 0, 1, 1], [], []>, transpose_lhs_hint = false} : vector<256x768xbf16>, vector<768x6xbf16>, vector<256x6xf32> -> vector<256x6xf32>
    %dot_general3A_209 = arith.constant dense<0.000000e+00> : vector<256x6xf32>
    %dot_general3A_210 = tpu.matmul %convert_element_type3A_206, %convert_element_type3A_119, %dot_general3A_209 {dimension_numbers = #tpu.dot_dimension_numbers<[1], [0], [0], [1], [0, 0, 1, 1], [], []>, transpose_lhs_hint = false} : vector<256x768xbf16>, vector<768x6xbf16>, vector<256x6xf32> -> vector<256x6xf32>
    %add3A_211 = arith.addf %dot_general3A_208, %dot_general3A_210 : vector<256x6xf32>
    %slice3A_212 = vector.extract_strided_slice %add3A_211 {offsets = [0, 0], sizes = [256, 3], strides = [1, 1]} : vector<256x6xf32> to vector<256x3xf32>
    %sub3A_213 = arith.subf %slice3A_212, %get3A_3 : vector<256x3xf32>
    %slice3A_214 = vector.extract_strided_slice %add3A_211 {offsets = [0, 3], sizes = [256, 3], strides = [1, 1]} : vector<256x6xf32> to vector<256x3xf32>
    %eq3A_215 = arith.constant 4.000000e+00 : bf16
    %eq3A_216 = vector.broadcast %eq3A_215 : bf16 to vector<256x768xbf16>
    %eq3A_217 = arith.cmpf oeq, %mul3A_172, %eq3A_216 : vector<256x768xbf16>
    %convert_element_type3A_218 = arith.extui %eq3A_217 : vector<256x768xi1> to vector<256x768xi32>
    %convert_element_type3A_219 = arith.sitofp %convert_element_type3A_218 : vector<256x768xi32> to vector<256x768xf32>
    %convert_element_type3A_220 = arith.truncf %convert_element_type3A_219 : vector<256x768xf32> to vector<256x768xbf16>
    %dot_general3A_221 = arith.constant dense<0.000000e+00> : vector<256x6xf32>
    %dot_general3A_222 = tpu.matmul %convert_element_type3A_220, %convert_element_type3A_112, %dot_general3A_221 {dimension_numbers = #tpu.dot_dimension_numbers<[1], [0], [0], [1], [0, 0, 1, 1], [], []>, transpose_lhs_hint = false} : vector<256x768xbf16>, vector<768x6xbf16>, vector<256x6xf32> -> vector<256x6xf32>
    %dot_general3A_223 = arith.constant dense<0.000000e+00> : vector<256x6xf32>
    %dot_general3A_224 = tpu.matmul %convert_element_type3A_220, %convert_element_type3A_119, %dot_general3A_223 {dimension_numbers = #tpu.dot_dimension_numbers<[1], [0], [0], [1], [0, 0, 1, 1], [], []>, transpose_lhs_hint = false} : vector<256x768xbf16>, vector<768x6xbf16>, vector<256x6xf32> -> vector<256x6xf32>
    %add3A_225 = arith.addf %dot_general3A_222, %dot_general3A_224 : vector<256x6xf32>
    %slice3A_226 = vector.extract_strided_slice %add3A_225 {offsets = [0, 0], sizes = [256, 3], strides = [1, 1]} : vector<256x6xf32> to vector<256x3xf32>
    %sub3A_227 = arith.subf %slice3A_226, %get3A_3 : vector<256x3xf32>
    %slice3A_228 = vector.extract_strided_slice %add3A_225 {offsets = [0, 3], sizes = [256, 3], strides = [1, 1]} : vector<256x6xf32> to vector<256x3xf32>
    %eq3A_229 = arith.constant 5.000000e+00 : bf16
    %eq3A_230 = vector.broadcast %eq3A_229 : bf16 to vector<256x768xbf16>
    %eq3A_231 = arith.cmpf oeq, %mul3A_172, %eq3A_230 : vector<256x768xbf16>
    %convert_element_type3A_232 = arith.extui %eq3A_231 : vector<256x768xi1> to vector<256x768xi32>
    %convert_element_type3A_233 = arith.sitofp %convert_element_type3A_232 : vector<256x768xi32> to vector<256x768xf32>
    %convert_element_type3A_234 = arith.truncf %convert_element_type3A_233 : vector<256x768xf32> to vector<256x768xbf16>
    %dot_general3A_235 = arith.constant dense<0.000000e+00> : vector<256x6xf32>
    %dot_general3A_236 = tpu.matmul %convert_element_type3A_234, %convert_element_type3A_112, %dot_general3A_235 {dimension_numbers = #tpu.dot_dimension_numbers<[1], [0], [0], [1], [0, 0, 1, 1], [], []>, transpose_lhs_hint = false} : vector<256x768xbf16>, vector<768x6xbf16>, vector<256x6xf32> -> vector<256x6xf32>
    %dot_general3A_237 = arith.constant dense<0.000000e+00> : vector<256x6xf32>
    %dot_general3A_238 = tpu.matmul %convert_element_type3A_234, %convert_element_type3A_119, %dot_general3A_237 {dimension_numbers = #tpu.dot_dimension_numbers<[1], [0], [0], [1], [0, 0, 1, 1], [], []>, transpose_lhs_hint = false} : vector<256x768xbf16>, vector<768x6xbf16>, vector<256x6xf32> -> vector<256x6xf32>
    %add3A_239 = arith.addf %dot_general3A_236, %dot_general3A_238 : vector<256x6xf32>
    %slice3A_240 = vector.extract_strided_slice %add3A_239 {offsets = [0, 0], sizes = [256, 3], strides = [1, 1]} : vector<256x6xf32> to vector<256x3xf32>
    %sub3A_241 = arith.subf %slice3A_240, %get3A_3 : vector<256x3xf32>
    %slice3A_242 = vector.extract_strided_slice %add3A_239 {offsets = [0, 3], sizes = [256, 3], strides = [1, 1]} : vector<256x6xf32> to vector<256x3xf32>
    %eq3A_243 = arith.constant 6.000000e+00 : bf16
    %eq3A_244 = vector.broadcast %eq3A_243 : bf16 to vector<256x768xbf16>
    %eq3A_245 = arith.cmpf oeq, %mul3A_172, %eq3A_244 : vector<256x768xbf16>
    %convert_element_type3A_246 = arith.extui %eq3A_245 : vector<256x768xi1> to vector<256x768xi32>
    %convert_element_type3A_247 = arith.sitofp %convert_element_type3A_246 : vector<256x768xi32> to vector<256x768xf32>
    %convert_element_type3A_248 = arith.truncf %convert_element_type3A_247 : vector<256x768xf32> to vector<256x768xbf16>
    %dot_general3A_249 = arith.constant dense<0.000000e+00> : vector<256x6xf32>
    %dot_general3A_250 = tpu.matmul %convert_element_type3A_248, %convert_element_type3A_112, %dot_general3A_249 {dimension_numbers = #tpu.dot_dimension_numbers<[1], [0], [0], [1], [0, 0, 1, 1], [], []>, transpose_lhs_hint = false} : vector<256x768xbf16>, vector<768x6xbf16>, vector<256x6xf32> -> vector<256x6xf32>
    %dot_general3A_251 = arith.constant dense<0.000000e+00> : vector<256x6xf32>
    %dot_general3A_252 = tpu.matmul %convert_element_type3A_248, %convert_element_type3A_119, %dot_general3A_251 {dimension_numbers = #tpu.dot_dimension_numbers<[1], [0], [0], [1], [0, 0, 1, 1], [], []>, transpose_lhs_hint = false} : vector<256x768xbf16>, vector<768x6xbf16>, vector<256x6xf32> -> vector<256x6xf32>
    %add3A_253 = arith.addf %dot_general3A_250, %dot_general3A_252 : vector<256x6xf32>
    %slice3A_254 = vector.extract_strided_slice %add3A_253 {offsets = [0, 0], sizes = [256, 3], strides = [1, 1]} : vector<256x6xf32> to vector<256x3xf32>
    %sub3A_255 = arith.subf %slice3A_254, %get3A_3 : vector<256x3xf32>
    %slice3A_256 = vector.extract_strided_slice %add3A_253 {offsets = [0, 3], sizes = [256, 3], strides = [1, 1]} : vector<256x6xf32> to vector<256x3xf32>
    %eq3A_257 = arith.constant 7.000000e+00 : bf16
    %eq3A_258 = vector.broadcast %eq3A_257 : bf16 to vector<256x768xbf16>
    %eq3A_259 = arith.cmpf oeq, %mul3A_172, %eq3A_258 : vector<256x768xbf16>
    %convert_element_type3A_260 = arith.extui %eq3A_259 : vector<256x768xi1> to vector<256x768xi32>
    %convert_element_type3A_261 = arith.sitofp %convert_element_type3A_260 : vector<256x768xi32> to vector<256x768xf32>
    %convert_element_type3A_262 = arith.truncf %convert_element_type3A_261 : vector<256x768xf32> to vector<256x768xbf16>
    %dot_general3A_263 = arith.constant dense<0.000000e+00> : vector<256x6xf32>
    %dot_general3A_264 = tpu.matmul %convert_element_type3A_262, %convert_element_type3A_112, %dot_general3A_263 {dimension_numbers = #tpu.dot_dimension_numbers<[1], [0], [0], [1], [0, 0, 1, 1], [], []>, transpose_lhs_hint = false} : vector<256x768xbf16>, vector<768x6xbf16>, vector<256x6xf32> -> vector<256x6xf32>
    %dot_general3A_265 = arith.constant dense<0.000000e+00> : vector<256x6xf32>
    %dot_general3A_266 = tpu.matmul %convert_element_type3A_262, %convert_element_type3A_119, %dot_general3A_265 {dimension_numbers = #tpu.dot_dimension_numbers<[1], [0], [0], [1], [0, 0, 1, 1], [], []>, transpose_lhs_hint = false} : vector<256x768xbf16>, vector<768x6xbf16>, vector<256x6xf32> -> vector<256x6xf32>
    %add3A_267 = arith.addf %dot_general3A_264, %dot_general3A_266 : vector<256x6xf32>
    %slice3A_268 = vector.extract_strided_slice %add3A_267 {offsets = [0, 0], sizes = [256, 3], strides = [1, 1]} : vector<256x6xf32> to vector<256x3xf32>
    %sub3A_269 = arith.subf %slice3A_268, %get3A_3 : vector<256x3xf32>
    %slice3A_270 = vector.extract_strided_slice %add3A_267 {offsets = [0, 3], sizes = [256, 3], strides = [1, 1]} : vector<256x6xf32> to vector<256x3xf32>
    %eq3A_271 = arith.constant 8.000000e+00 : bf16
    %eq3A_272 = vector.broadcast %eq3A_271 : bf16 to vector<256x768xbf16>
    %eq3A_273 = arith.cmpf oeq, %mul3A_172, %eq3A_272 : vector<256x768xbf16>
    %convert_element_type3A_274 = arith.extui %eq3A_273 : vector<256x768xi1> to vector<256x768xi32>
    %convert_element_type3A_275 = arith.sitofp %convert_element_type3A_274 : vector<256x768xi32> to vector<256x768xf32>
    %convert_element_type3A_276 = arith.truncf %convert_element_type3A_275 : vector<256x768xf32> to vector<256x768xbf16>
    %dot_general3A_277 = arith.constant dense<0.000000e+00> : vector<256x6xf32>
    %dot_general3A_278 = tpu.matmul %convert_element_type3A_276, %convert_element_type3A_112, %dot_general3A_277 {dimension_numbers = #tpu.dot_dimension_numbers<[1], [0], [0], [1], [0, 0, 1, 1], [], []>, transpose_lhs_hint = false} : vector<256x768xbf16>, vector<768x6xbf16>, vector<256x6xf32> -> vector<256x6xf32>
    %dot_general3A_279 = arith.constant dense<0.000000e+00> : vector<256x6xf32>
    %dot_general3A_280 = tpu.matmul %convert_element_type3A_276, %convert_element_type3A_119, %dot_general3A_279 {dimension_numbers = #tpu.dot_dimension_numbers<[1], [0], [0], [1], [0, 0, 1, 1], [], []>, transpose_lhs_hint = false} : vector<256x768xbf16>, vector<768x6xbf16>, vector<256x6xf32> -> vector<256x6xf32>
    %add3A_281 = arith.addf %dot_general3A_278, %dot_general3A_280 : vector<256x6xf32>
    %slice3A_282 = vector.extract_strided_slice %add3A_281 {offsets = [0, 0], sizes = [256, 3], strides = [1, 1]} : vector<256x6xf32> to vector<256x3xf32>
    %sub3A_283 = arith.subf %slice3A_282, %get3A_3 : vector<256x3xf32>
    %slice3A_284 = vector.extract_strided_slice %add3A_281 {offsets = [0, 3], sizes = [256, 3], strides = [1, 1]} : vector<256x6xf32> to vector<256x3xf32>
    %eq3A_285 = arith.constant 9.000000e+00 : bf16
    %eq3A_286 = vector.broadcast %eq3A_285 : bf16 to vector<256x768xbf16>
    %eq3A_287 = arith.cmpf oeq, %mul3A_172, %eq3A_286 : vector<256x768xbf16>
    %convert_element_type3A_288 = arith.extui %eq3A_287 : vector<256x768xi1> to vector<256x768xi32>
    %convert_element_type3A_289 = arith.sitofp %convert_element_type3A_288 : vector<256x768xi32> to vector<256x768xf32>
    %convert_element_type3A_290 = arith.truncf %convert_element_type3A_289 : vector<256x768xf32> to vector<256x768xbf16>
    %dot_general3A_291 = arith.constant dense<0.000000e+00> : vector<256x6xf32>
    %dot_general3A_292 = tpu.matmul %convert_element_type3A_290, %convert_element_type3A_112, %dot_general3A_291 {dimension_numbers = #tpu.dot_dimension_numbers<[1], [0], [0], [1], [0, 0, 1, 1], [], []>, transpose_lhs_hint = false} : vector<256x768xbf16>, vector<768x6xbf16>, vector<256x6xf32> -> vector<256x6xf32>
    %dot_general3A_293 = arith.constant dense<0.000000e+00> : vector<256x6xf32>
    %dot_general3A_294 = tpu.matmul %convert_element_type3A_290, %convert_element_type3A_119, %dot_general3A_293 {dimension_numbers = #tpu.dot_dimension_numbers<[1], [0], [0], [1], [0, 0, 1, 1], [], []>, transpose_lhs_hint = false} : vector<256x768xbf16>, vector<768x6xbf16>, vector<256x6xf32> -> vector<256x6xf32>
    %add3A_295 = arith.addf %dot_general3A_292, %dot_general3A_294 : vector<256x6xf32>
    %slice3A_296 = vector.extract_strided_slice %add3A_295 {offsets = [0, 0], sizes = [256, 3], strides = [1, 1]} : vector<256x6xf32> to vector<256x3xf32>
    %sub3A_297 = arith.subf %slice3A_296, %get3A_3 : vector<256x3xf32>
    %slice3A_298 = vector.extract_strided_slice %add3A_295 {offsets = [0, 3], sizes = [256, 3], strides = [1, 1]} : vector<256x6xf32> to vector<256x3xf32>
    %eq3A_299 = arith.constant 1.000000e+01 : bf16
    %eq3A_300 = vector.broadcast %eq3A_299 : bf16 to vector<256x768xbf16>
    %eq3A_301 = arith.cmpf oeq, %mul3A_172, %eq3A_300 : vector<256x768xbf16>
    %convert_element_type3A_302 = arith.extui %eq3A_301 : vector<256x768xi1> to vector<256x768xi32>
    %convert_element_type3A_303 = arith.sitofp %convert_element_type3A_302 : vector<256x768xi32> to vector<256x768xf32>
    %convert_element_type3A_304 = arith.truncf %convert_element_type3A_303 : vector<256x768xf32> to vector<256x768xbf16>
    %dot_general3A_305 = arith.constant dense<0.000000e+00> : vector<256x6xf32>
    %dot_general3A_306 = tpu.matmul %convert_element_type3A_304, %convert_element_type3A_112, %dot_general3A_305 {dimension_numbers = #tpu.dot_dimension_numbers<[1], [0], [0], [1], [0, 0, 1, 1], [], []>, transpose_lhs_hint = false} : vector<256x768xbf16>, vector<768x6xbf16>, vector<256x6xf32> -> vector<256x6xf32>
    %dot_general3A_307 = arith.constant dense<0.000000e+00> : vector<256x6xf32>
    %dot_general3A_308 = tpu.matmul %convert_element_type3A_304, %convert_element_type3A_119, %dot_general3A_307 {dimension_numbers = #tpu.dot_dimension_numbers<[1], [0], [0], [1], [0, 0, 1, 1], [], []>, transpose_lhs_hint = false} : vector<256x768xbf16>, vector<768x6xbf16>, vector<256x6xf32> -> vector<256x6xf32>
    %add3A_309 = arith.addf %dot_general3A_306, %dot_general3A_308 : vector<256x6xf32>
    %slice3A_310 = vector.extract_strided_slice %add3A_309 {offsets = [0, 0], sizes = [256, 3], strides = [1, 1]} : vector<256x6xf32> to vector<256x3xf32>
    %sub3A_311 = arith.subf %slice3A_310, %get3A_3 : vector<256x3xf32>
    %slice3A_312 = vector.extract_strided_slice %add3A_309 {offsets = [0, 3], sizes = [256, 3], strides = [1, 1]} : vector<256x6xf32> to vector<256x3xf32>
    %eq3A_313 = arith.constant 1.100000e+01 : bf16
    %eq3A_314 = vector.broadcast %eq3A_313 : bf16 to vector<256x768xbf16>
    %eq3A_315 = arith.cmpf oeq, %mul3A_172, %eq3A_314 : vector<256x768xbf16>
    %convert_element_type3A_316 = arith.extui %eq3A_315 : vector<256x768xi1> to vector<256x768xi32>
    %convert_element_type3A_317 = arith.sitofp %convert_element_type3A_316 : vector<256x768xi32> to vector<256x768xf32>
    %convert_element_type3A_318 = arith.truncf %convert_element_type3A_317 : vector<256x768xf32> to vector<256x768xbf16>
    %dot_general3A_319 = arith.constant dense<0.000000e+00> : vector<256x6xf32>
    %dot_general3A_320 = tpu.matmul %convert_element_type3A_318, %convert_element_type3A_112, %dot_general3A_319 {dimension_numbers = #tpu.dot_dimension_numbers<[1], [0], [0], [1], [0, 0, 1, 1], [], []>, transpose_lhs_hint = false} : vector<256x768xbf16>, vector<768x6xbf16>, vector<256x6xf32> -> vector<256x6xf32>
    %dot_general3A_321 = arith.constant dense<0.000000e+00> : vector<256x6xf32>
    %dot_general3A_322 = tpu.matmul %convert_element_type3A_318, %convert_element_type3A_119, %dot_general3A_321 {dimension_numbers = #tpu.dot_dimension_numbers<[1], [0], [0], [1], [0, 0, 1, 1], [], []>, transpose_lhs_hint = false} : vector<256x768xbf16>, vector<768x6xbf16>, vector<256x6xf32> -> vector<256x6xf32>
    %add3A_323 = arith.addf %dot_general3A_320, %dot_general3A_322 : vector<256x6xf32>
    %slice3A_324 = vector.extract_strided_slice %add3A_323 {offsets = [0, 0], sizes = [256, 3], strides = [1, 1]} : vector<256x6xf32> to vector<256x3xf32>
    %sub3A_325 = arith.subf %slice3A_324, %get3A_3 : vector<256x3xf32>
    %slice3A_326 = vector.extract_strided_slice %add3A_323 {offsets = [0, 3], sizes = [256, 3], strides = [1, 1]} : vector<256x6xf32> to vector<256x3xf32>
    %eq3A_327 = arith.constant 1.200000e+01 : bf16
    %eq3A_328 = vector.broadcast %eq3A_327 : bf16 to vector<256x768xbf16>
    %eq3A_329 = arith.cmpf oeq, %mul3A_172, %eq3A_328 : vector<256x768xbf16>
    %convert_element_type3A_330 = arith.extui %eq3A_329 : vector<256x768xi1> to vector<256x768xi32>
    %convert_element_type3A_331 = arith.sitofp %convert_element_type3A_330 : vector<256x768xi32> to vector<256x768xf32>
    %convert_element_type3A_332 = arith.truncf %convert_element_type3A_331 : vector<256x768xf32> to vector<256x768xbf16>
    %dot_general3A_333 = arith.constant dense<0.000000e+00> : vector<256x6xf32>
    %dot_general3A_334 = tpu.matmul %convert_element_type3A_332, %convert_element_type3A_112, %dot_general3A_333 {dimension_numbers = #tpu.dot_dimension_numbers<[1], [0], [0], [1], [0, 0, 1, 1], [], []>, transpose_lhs_hint = false} : vector<256x768xbf16>, vector<768x6xbf16>, vector<256x6xf32> -> vector<256x6xf32>
    %dot_general3A_335 = arith.constant dense<0.000000e+00> : vector<256x6xf32>
    %dot_general3A_336 = tpu.matmul %convert_element_type3A_332, %convert_element_type3A_119, %dot_general3A_335 {dimension_numbers = #tpu.dot_dimension_numbers<[1], [0], [0], [1], [0, 0, 1, 1], [], []>, transpose_lhs_hint = false} : vector<256x768xbf16>, vector<768x6xbf16>, vector<256x6xf32> -> vector<256x6xf32>
    %add3A_337 = arith.addf %dot_general3A_334, %dot_general3A_336 : vector<256x6xf32>
    %slice3A_338 = vector.extract_strided_slice %add3A_337 {offsets = [0, 0], sizes = [256, 3], strides = [1, 1]} : vector<256x6xf32> to vector<256x3xf32>
    %sub3A_339 = arith.subf %slice3A_338, %get3A_3 : vector<256x3xf32>
    %slice3A_340 = vector.extract_strided_slice %add3A_337 {offsets = [0, 3], sizes = [256, 3], strides = [1, 1]} : vector<256x6xf32> to vector<256x3xf32>
    %eq3A_341 = arith.constant 1.300000e+01 : bf16
    %eq3A_342 = vector.broadcast %eq3A_341 : bf16 to vector<256x768xbf16>
    %eq3A_343 = arith.cmpf oeq, %mul3A_172, %eq3A_342 : vector<256x768xbf16>
    %convert_element_type3A_344 = arith.extui %eq3A_343 : vector<256x768xi1> to vector<256x768xi32>
    %convert_element_type3A_345 = arith.sitofp %convert_element_type3A_344 : vector<256x768xi32> to vector<256x768xf32>
    %convert_element_type3A_346 = arith.truncf %convert_element_type3A_345 : vector<256x768xf32> to vector<256x768xbf16>
    %dot_general3A_347 = arith.constant dense<0.000000e+00> : vector<256x6xf32>
    %dot_general3A_348 = tpu.matmul %convert_element_type3A_346, %convert_element_type3A_112, %dot_general3A_347 {dimension_numbers = #tpu.dot_dimension_numbers<[1], [0], [0], [1], [0, 0, 1, 1], [], []>, transpose_lhs_hint = false} : vector<256x768xbf16>, vector<768x6xbf16>, vector<256x6xf32> -> vector<256x6xf32>
    %dot_general3A_349 = arith.constant dense<0.000000e+00> : vector<256x6xf32>
    %dot_general3A_350 = tpu.matmul %convert_element_type3A_346, %convert_element_type3A_119, %dot_general3A_349 {dimension_numbers = #tpu.dot_dimension_numbers<[1], [0], [0], [1], [0, 0, 1, 1], [], []>, transpose_lhs_hint = false} : vector<256x768xbf16>, vector<768x6xbf16>, vector<256x6xf32> -> vector<256x6xf32>
    %add3A_351 = arith.addf %dot_general3A_348, %dot_general3A_350 : vector<256x6xf32>
    %slice3A_352 = vector.extract_strided_slice %add3A_351 {offsets = [0, 0], sizes = [256, 3], strides = [1, 1]} : vector<256x6xf32> to vector<256x3xf32>
    %sub3A_353 = arith.subf %slice3A_352, %get3A_3 : vector<256x3xf32>
    %slice3A_354 = vector.extract_strided_slice %add3A_351 {offsets = [0, 3], sizes = [256, 3], strides = [1, 1]} : vector<256x6xf32> to vector<256x3xf32>
    %eq3A_355 = arith.constant 1.400000e+01 : bf16
    %eq3A_356 = vector.broadcast %eq3A_355 : bf16 to vector<256x768xbf16>
    %eq3A_357 = arith.cmpf oeq, %mul3A_172, %eq3A_356 : vector<256x768xbf16>
    %convert_element_type3A_358 = arith.extui %eq3A_357 : vector<256x768xi1> to vector<256x768xi32>
    %convert_element_type3A_359 = arith.sitofp %convert_element_type3A_358 : vector<256x768xi32> to vector<256x768xf32>
    %convert_element_type3A_360 = arith.truncf %convert_element_type3A_359 : vector<256x768xf32> to vector<256x768xbf16>
    %dot_general3A_361 = arith.constant dense<0.000000e+00> : vector<256x6xf32>
    %dot_general3A_362 = tpu.matmul %convert_element_type3A_360, %convert_element_type3A_112, %dot_general3A_361 {dimension_numbers = #tpu.dot_dimension_numbers<[1], [0], [0], [1], [0, 0, 1, 1], [], []>, transpose_lhs_hint = false} : vector<256x768xbf16>, vector<768x6xbf16>, vector<256x6xf32> -> vector<256x6xf32>
    %dot_general3A_363 = arith.constant dense<0.000000e+00> : vector<256x6xf32>
    %dot_general3A_364 = tpu.matmul %convert_element_type3A_360, %convert_element_type3A_119, %dot_general3A_363 {dimension_numbers = #tpu.dot_dimension_numbers<[1], [0], [0], [1], [0, 0, 1, 1], [], []>, transpose_lhs_hint = false} : vector<256x768xbf16>, vector<768x6xbf16>, vector<256x6xf32> -> vector<256x6xf32>
    %add3A_365 = arith.addf %dot_general3A_362, %dot_general3A_364 : vector<256x6xf32>
    %slice3A_366 = vector.extract_strided_slice %add3A_365 {offsets = [0, 0], sizes = [256, 3], strides = [1, 1]} : vector<256x6xf32> to vector<256x3xf32>
    %sub3A_367 = arith.subf %slice3A_366, %get3A_3 : vector<256x3xf32>
    %slice3A_368 = vector.extract_strided_slice %add3A_365 {offsets = [0, 3], sizes = [256, 3], strides = [1, 1]} : vector<256x6xf32> to vector<256x3xf32>
    %eq3A_369 = arith.constant 1.500000e+01 : bf16
    %eq3A_370 = vector.broadcast %eq3A_369 : bf16 to vector<256x768xbf16>
    %eq3A_371 = arith.cmpf oeq, %mul3A_172, %eq3A_370 : vector<256x768xbf16>
    %convert_element_type3A_372 = arith.extui %eq3A_371 : vector<256x768xi1> to vector<256x768xi32>
    %convert_element_type3A_373 = arith.sitofp %convert_element_type3A_372 : vector<256x768xi32> to vector<256x768xf32>
    %convert_element_type3A_374 = arith.truncf %convert_element_type3A_373 : vector<256x768xf32> to vector<256x768xbf16>
    %dot_general3A_375 = arith.constant dense<0.000000e+00> : vector<256x6xf32>
    %dot_general3A_376 = tpu.matmul %convert_element_type3A_374, %convert_element_type3A_112, %dot_general3A_375 {dimension_numbers = #tpu.dot_dimension_numbers<[1], [0], [0], [1], [0, 0, 1, 1], [], []>, transpose_lhs_hint = false} : vector<256x768xbf16>, vector<768x6xbf16>, vector<256x6xf32> -> vector<256x6xf32>
    %dot_general3A_377 = arith.constant dense<0.000000e+00> : vector<256x6xf32>
    %dot_general3A_378 = tpu.matmul %convert_element_type3A_374, %convert_element_type3A_119, %dot_general3A_377 {dimension_numbers = #tpu.dot_dimension_numbers<[1], [0], [0], [1], [0, 0, 1, 1], [], []>, transpose_lhs_hint = false} : vector<256x768xbf16>, vector<768x6xbf16>, vector<256x6xf32> -> vector<256x6xf32>
    %add3A_379 = arith.addf %dot_general3A_376, %dot_general3A_378 : vector<256x6xf32>
    %slice3A_380 = vector.extract_strided_slice %add3A_379 {offsets = [0, 0], sizes = [256, 3], strides = [1, 1]} : vector<256x6xf32> to vector<256x3xf32>
    %sub3A_381 = arith.subf %slice3A_380, %get3A_3 : vector<256x3xf32>
    %slice3A_382 = vector.extract_strided_slice %add3A_379 {offsets = [0, 3], sizes = [256, 3], strides = [1, 1]} : vector<256x6xf32> to vector<256x3xf32>
    %eq3A_383 = arith.constant 1.600000e+01 : bf16
    %eq3A_384 = vector.broadcast %eq3A_383 : bf16 to vector<256x768xbf16>
    %eq3A_385 = arith.cmpf oeq, %mul3A_172, %eq3A_384 : vector<256x768xbf16>
    %convert_element_type3A_386 = arith.extui %eq3A_385 : vector<256x768xi1> to vector<256x768xi32>
    %convert_element_type3A_387 = arith.sitofp %convert_element_type3A_386 : vector<256x768xi32> to vector<256x768xf32>
    %convert_element_type3A_388 = arith.truncf %convert_element_type3A_387 : vector<256x768xf32> to vector<256x768xbf16>
    %dot_general3A_389 = arith.constant dense<0.000000e+00> : vector<256x6xf32>
    %dot_general3A_390 = tpu.matmul %convert_element_type3A_388, %convert_element_type3A_112, %dot_general3A_389 {dimension_numbers = #tpu.dot_dimension_numbers<[1], [0], [0], [1], [0, 0, 1, 1], [], []>, transpose_lhs_hint = false} : vector<256x768xbf16>, vector<768x6xbf16>, vector<256x6xf32> -> vector<256x6xf32>
    %dot_general3A_391 = arith.constant dense<0.000000e+00> : vector<256x6xf32>
    %dot_general3A_392 = tpu.matmul %convert_element_type3A_388, %convert_element_type3A_119, %dot_general3A_391 {dimension_numbers = #tpu.dot_dimension_numbers<[1], [0], [0], [1], [0, 0, 1, 1], [], []>, transpose_lhs_hint = false} : vector<256x768xbf16>, vector<768x6xbf16>, vector<256x6xf32> -> vector<256x6xf32>
    %add3A_393 = arith.addf %dot_general3A_390, %dot_general3A_392 : vector<256x6xf32>
    %slice3A_394 = vector.extract_strided_slice %add3A_393 {offsets = [0, 0], sizes = [256, 3], strides = [1, 1]} : vector<256x6xf32> to vector<256x3xf32>
    %sub3A_395 = arith.subf %slice3A_394, %get3A_3 : vector<256x3xf32>
    %slice3A_396 = vector.extract_strided_slice %add3A_393 {offsets = [0, 3], sizes = [256, 3], strides = [1, 1]} : vector<256x6xf32> to vector<256x3xf32>
    %concatenate3A_397 = tpu.concatenate %sub3A_185, %sub3A_199, %sub3A_213, %sub3A_227, %sub3A_241, %sub3A_255, %sub3A_269, %sub3A_283, %sub3A_297, %sub3A_311, %sub3A_325, %sub3A_339, %sub3A_353, %sub3A_367, %sub3A_381, %sub3A_395 in 0 : vector<256x3xf32>, vector<256x3xf32>, vector<256x3xf32>, vector<256x3xf32>, vector<256x3xf32>, vector<256x3xf32>, vector<256x3xf32>, vector<256x3xf32>, vector<256x3xf32>, vector<256x3xf32>, vector<256x3xf32>, vector<256x3xf32>, vector<256x3xf32>, vector<256x3xf32>, vector<256x3xf32>, vector<256x3xf32> -> vector<4096x3xf32>
    %concatenate3A_398 = tpu.concatenate %slice3A_186, %slice3A_200, %slice3A_214, %slice3A_228, %slice3A_242, %slice3A_256, %slice3A_270, %slice3A_284, %slice3A_298, %slice3A_312, %slice3A_326, %slice3A_340, %slice3A_354, %slice3A_368, %slice3A_382, %slice3A_396 in 0 : vector<256x3xf32>, vector<256x3xf32>, vector<256x3xf32>, vector<256x3xf32>, vector<256x3xf32>, vector<256x3xf32>, vector<256x3xf32>, vector<256x3xf32>, vector<256x3xf32>, vector<256x3xf32>, vector<256x3xf32>, vector<256x3xf32>, vector<256x3xf32>, vector<256x3xf32>, vector<256x3xf32>, vector<256x3xf32> -> vector<4096x3xf32>
    %convert_element_type3A_399 = arith.truncf %concatenate3A_397 : vector<4096x3xf32> to vector<4096x3xbf16>
    %get3A_400 = arith.constant 0 : index
    %get3A_401 = arith.constant 0 : index
    %get3A_402 = vector.load %arg5[%get3A_400, %get3A_401] : memref<3x128xf32, #tpu.memory_space<vmem>>, vector<3x128xf32>
    %convert_element_type3A_403 = arith.truncf %get3A_402 : vector<3x128xf32> to vector<3x128xbf16>
    %dot_general3A_404 = arith.constant dense<0.000000e+00> : vector<4096x128xf32>
    %dot_general3A_405 = tpu.matmul %convert_element_type3A_399, %convert_element_type3A_403, %dot_general3A_404 {dimension_numbers = #tpu.dot_dimension_numbers<[1], [0], [0], [1], [0, 0, 1, 1], [], []>, transpose_lhs_hint = false} : vector<4096x3xbf16>, vector<3x128xbf16>, vector<4096x128xf32> -> vector<4096x128xf32>
    %get3A_406 = arith.constant 0 : index
    %get3A_407 = arith.constant 0 : index
    %get3A_408 = vector.load %arg6[%get3A_406, %get3A_407] : memref<1x128xf32, #tpu.memory_space<vmem>>, vector<1x128xf32>
    %add3A_409 = vector.broadcast %get3A_408 : vector<1x128xf32> to vector<4096x128xf32>
    %add3A_410 = arith.addf %dot_general3A_405, %add3A_409 : vector<4096x128xf32>
    %integer_pow3A = arith.mulf %add3A_410, %add3A_410 : vector<4096x128xf32>
    %integer_pow3A_411 = arith.mulf %add3A_410, %integer_pow3A : vector<4096x128xf32>
    %mul3A_412 = arith.constant 4.471500e-02 : f32
    %mul3A_413 = vector.broadcast %mul3A_412 : f32 to vector<4096x128xf32>
    %mul3A_414 = arith.mulf %mul3A_413, %integer_pow3A_411 : vector<4096x128xf32>
    %add3A_415 = arith.addf %add3A_410, %mul3A_414 : vector<4096x128xf32>
    %mul3A_416 = arith.constant 0.797884583 : f32
    %mul3A_417 = vector.broadcast %mul3A_416 : f32 to vector<4096x128xf32>
    %mul3A_418 = arith.mulf %mul3A_417, %add3A_415 : vector<4096x128xf32>
    %tanh3A = math.tanh %mul3A_418 : vector<4096x128xf32>
    %add3A_419 = arith.constant 1.000000e+00 : f32
    %add3A_420 = vector.broadcast %add3A_419 : f32 to vector<4096x128xf32>
    %add3A_421 = arith.addf %add3A_420, %tanh3A : vector<4096x128xf32>
    %mul3A_422 = arith.constant 5.000000e-01 : f32
    %mul3A_423 = vector.broadcast %mul3A_422 : f32 to vector<4096x128xf32>
    %mul3A_424 = arith.mulf %mul3A_423, %add3A_421 : vector<4096x128xf32>
    %mul3A_425 = arith.mulf %add3A_410, %mul3A_424 : vector<4096x128xf32>
    %convert_element_type3A_426 = arith.truncf %mul3A_425 : vector<4096x128xf32> to vector<4096x128xbf16>
    %get3A_427 = arith.constant 0 : index
    %get3A_428 = arith.constant 0 : index
    %get3A_429 = vector.load %arg7[%get3A_427, %get3A_428] : memref<128x256xf32, #tpu.memory_space<vmem>>, vector<128x256xf32>
    %convert_element_type3A_430 = arith.truncf %get3A_429 : vector<128x256xf32> to vector<128x256xbf16>
    %dot_general3A_431 = arith.constant dense<0.000000e+00> : vector<4096x256xf32>
    %dot_general3A_432 = tpu.matmul %convert_element_type3A_426, %convert_element_type3A_430, %dot_general3A_431 {dimension_numbers = #tpu.dot_dimension_numbers<[1], [0], [0], [1], [0, 0, 1, 1], [], []>, transpose_lhs_hint = false} : vector<4096x128xbf16>, vector<128x256xbf16>, vector<4096x256xf32> -> vector<4096x256xf32>
    %get3A_433 = arith.constant 0 : index
    %get3A_434 = arith.constant 0 : index
    %get3A_435 = vector.load %arg8[%get3A_433, %get3A_434] : memref<1x256xf32, #tpu.memory_space<vmem>>, vector<1x256xf32>
    %add3A_436 = vector.broadcast %get3A_435 : vector<1x256xf32> to vector<4096x256xf32>
    %add3A_437 = arith.addf %dot_general3A_432, %add3A_436 : vector<4096x256xf32>
    %integer_pow3A_438 = arith.mulf %add3A_437, %add3A_437 : vector<4096x256xf32>
    %integer_pow3A_439 = arith.mulf %add3A_437, %integer_pow3A_438 : vector<4096x256xf32>
    %mul3A_440 = arith.constant 4.471500e-02 : f32
    %mul3A_441 = vector.broadcast %mul3A_440 : f32 to vector<4096x256xf32>
    %mul3A_442 = arith.mulf %mul3A_441, %integer_pow3A_439 : vector<4096x256xf32>
    %add3A_443 = arith.addf %add3A_437, %mul3A_442 : vector<4096x256xf32>
    %mul3A_444 = arith.constant 0.797884583 : f32
    %mul3A_445 = vector.broadcast %mul3A_444 : f32 to vector<4096x256xf32>
    %mul3A_446 = arith.mulf %mul3A_445, %add3A_443 : vector<4096x256xf32>
    %tanh3A_447 = math.tanh %mul3A_446 : vector<4096x256xf32>
    %add3A_448 = arith.constant 1.000000e+00 : f32
    %add3A_449 = vector.broadcast %add3A_448 : f32 to vector<4096x256xf32>
    %add3A_450 = arith.addf %add3A_449, %tanh3A_447 : vector<4096x256xf32>
    %mul3A_451 = arith.constant 5.000000e-01 : f32
    %mul3A_452 = vector.broadcast %mul3A_451 : f32 to vector<4096x256xf32>
    %mul3A_453 = arith.mulf %mul3A_452, %add3A_450 : vector<4096x256xf32>
    %mul3A_454 = arith.mulf %add3A_437, %mul3A_453 : vector<4096x256xf32>
    %convert_element_type3A_455 = arith.truncf %mul3A_454 : vector<4096x256xf32> to vector<4096x256xbf16>
    %get3A_456 = arith.constant 0 : index
    %get3A_457 = arith.constant 0 : index
    %get3A_458 = vector.load %arg9[%get3A_456, %get3A_457] : memref<256x3xf32, #tpu.memory_space<vmem>>, vector<256x3xf32>
    %convert_element_type3A_459 = arith.truncf %get3A_458 : vector<256x3xf32> to vector<256x3xbf16>
    %dot_general3A_460 = arith.constant dense<0.000000e+00> : vector<4096x3xf32>
    %dot_general3A_461 = tpu.matmul %convert_element_type3A_455, %convert_element_type3A_459, %dot_general3A_460 {dimension_numbers = #tpu.dot_dimension_numbers<[1], [0], [0], [1], [0, 0, 1, 1], [], []>, transpose_lhs_hint = false} : vector<4096x256xbf16>, vector<256x3xbf16>, vector<4096x3xf32> -> vector<4096x3xf32>
    %get3A_462 = arith.constant 0 : index
    %get3A_463 = arith.constant 0 : index
    %get3A_464 = vector.load %arg10[%get3A_462, %get3A_463] : memref<1x3xf32, #tpu.memory_space<vmem>>, vector<1x3xf32>
    %add3A_465 = vector.broadcast %get3A_464 : vector<1x3xf32> to vector<4096x3xf32>
    %add3A_466 = arith.addf %dot_general3A_461, %add3A_465 : vector<4096x3xf32>
    %mul3A_467 = arith.mulf %add3A_466, %concatenate3A_398 : vector<4096x3xf32>
    %broadcast_in_dim3A_468 = arith.constant 0.000000e+00 : f32
    %broadcast_in_dim3A_469 = vector.broadcast %broadcast_in_dim3A_468 : f32 to vector<256x3xf32>
    %slice3A_470 = vector.extract_strided_slice %mul3A_467 {offsets = [0, 0], sizes = [256, 3], strides = [1, 1]} : vector<4096x3xf32> to vector<256x3xf32>
    %add3A_471 = arith.addf %broadcast_in_dim3A_469, %slice3A_470 : vector<256x3xf32>
    %slice3A_472 = vector.extract_strided_slice %mul3A_467 {offsets = [256, 0], sizes = [256, 3], strides = [1, 1]} : vector<4096x3xf32> to vector<256x3xf32>
    %add3A_473 = arith.addf %add3A_471, %slice3A_472 : vector<256x3xf32>
    %slice3A_474 = vector.extract_strided_slice %mul3A_467 {offsets = [512, 0], sizes = [256, 3], strides = [1, 1]} : vector<4096x3xf32> to vector<256x3xf32>
    %add3A_475 = arith.addf %add3A_473, %slice3A_474 : vector<256x3xf32>
    %slice3A_476 = vector.extract_strided_slice %mul3A_467 {offsets = [768, 0], sizes = [256, 3], strides = [1, 1]} : vector<4096x3xf32> to vector<256x3xf32>
    %add3A_477 = arith.addf %add3A_475, %slice3A_476 : vector<256x3xf32>
    %slice3A_478 = vector.extract_strided_slice %mul3A_467 {offsets = [1024, 0], sizes = [256, 3], strides = [1, 1]} : vector<4096x3xf32> to vector<256x3xf32>
    %add3A_479 = arith.addf %add3A_477, %slice3A_478 : vector<256x3xf32>
    %slice3A_480 = vector.extract_strided_slice %mul3A_467 {offsets = [1280, 0], sizes = [256, 3], strides = [1, 1]} : vector<4096x3xf32> to vector<256x3xf32>
    %add3A_481 = arith.addf %add3A_479, %slice3A_480 : vector<256x3xf32>
    %slice3A_482 = vector.extract_strided_slice %mul3A_467 {offsets = [1536, 0], sizes = [256, 3], strides = [1, 1]} : vector<4096x3xf32> to vector<256x3xf32>
    %add3A_483 = arith.addf %add3A_481, %slice3A_482 : vector<256x3xf32>
    %slice3A_484 = vector.extract_strided_slice %mul3A_467 {offsets = [1792, 0], sizes = [256, 3], strides = [1, 1]} : vector<4096x3xf32> to vector<256x3xf32>
    %add3A_485 = arith.addf %add3A_483, %slice3A_484 : vector<256x3xf32>
    %slice3A_486 = vector.extract_strided_slice %mul3A_467 {offsets = [2048, 0], sizes = [256, 3], strides = [1, 1]} : vector<4096x3xf32> to vector<256x3xf32>
    %add3A_487 = arith.addf %add3A_485, %slice3A_486 : vector<256x3xf32>
    %slice3A_488 = vector.extract_strided_slice %mul3A_467 {offsets = [2304, 0], sizes = [256, 3], strides = [1, 1]} : vector<4096x3xf32> to vector<256x3xf32>
    %add3A_489 = arith.addf %add3A_487, %slice3A_488 : vector<256x3xf32>
    %slice3A_490 = vector.extract_strided_slice %mul3A_467 {offsets = [2560, 0], sizes = [256, 3], strides = [1, 1]} : vector<4096x3xf32> to vector<256x3xf32>
    %add3A_491 = arith.addf %add3A_489, %slice3A_490 : vector<256x3xf32>
    %slice3A_492 = vector.extract_strided_slice %mul3A_467 {offsets = [2816, 0], sizes = [256, 3], strides = [1, 1]} : vector<4096x3xf32> to vector<256x3xf32>
    %add3A_493 = arith.addf %add3A_491, %slice3A_492 : vector<256x3xf32>
    %slice3A_494 = vector.extract_strided_slice %mul3A_467 {offsets = [3072, 0], sizes = [256, 3], strides = [1, 1]} : vector<4096x3xf32> to vector<256x3xf32>
    %add3A_495 = arith.addf %add3A_493, %slice3A_494 : vector<256x3xf32>
    %slice3A_496 = vector.extract_strided_slice %mul3A_467 {offsets = [3328, 0], sizes = [256, 3], strides = [1, 1]} : vector<4096x3xf32> to vector<256x3xf32>
    %add3A_497 = arith.addf %add3A_495, %slice3A_496 : vector<256x3xf32>
    %slice3A_498 = vector.extract_strided_slice %mul3A_467 {offsets = [3584, 0], sizes = [256, 3], strides = [1, 1]} : vector<4096x3xf32> to vector<256x3xf32>
    %add3A_499 = arith.addf %add3A_497, %slice3A_498 : vector<256x3xf32>
    %slice3A_500 = vector.extract_strided_slice %mul3A_467 {offsets = [3840, 0], sizes = [256, 3], strides = [1, 1]} : vector<4096x3xf32> to vector<256x3xf32>
    %add3A_501 = arith.addf %add3A_499, %slice3A_500 : vector<256x3xf32>
    %max3A = arith.constant 1.000000e+00 : f32
    %max3A_502 = vector.broadcast %max3A : f32 to vector<256x1xf32>
    %max3A_503 = arith.maximumf %convert_element_type3A_171, %max3A_502 : vector<256x1xf32>
    %div3A = vector.broadcast %max3A_503 : vector<256x1xf32> to vector<256x3xf32>
    %div3A_504 = arith.divf %add3A_501, %div3A : vector<256x3xf32>
    %swap3A = arith.constant 0 : index
    %swap3A_505 = arith.constant 0 : index
    %swap3A_506 = vector.load %arg11[%swap3A, %swap3A_505] : memref<256x3xf32, #tpu.memory_space<vmem>>, vector<256x3xf32>
    tpu.vector_store %arg11[%swap3A, %swap3A_505], %div3A_504 {strides = array<i32>} : memref<256x3xf32, #tpu.memory_space<vmem>>, vector<256x3xf32>,
    return
  }
  func.func @transform_0(%arg0: i32, %arg1: memref<64xi32, #tpu.memory_space<smem>>) -> (i32, i32) {
    %c0_i32 = arith.constant 0 : i32
    %c0_i32_0 = arith.constant 0 : i32
    return %arg0, %c0_i32 : i32, i32
  }
  func.func @transform_1(%arg0: i32, %arg1: memref<64xi32, #tpu.memory_space<smem>>) -> (i32, i32) {
    %c0_i32 = arith.constant 0 : i32
    %c0_i32_0 = arith.constant 0 : i32
    %c0_i32_1 = arith.constant 0 : i32
    return %c0_i32, %c0_i32_0 : i32, i32
  }
  func.func @transform_2(%arg0: i32, %arg1: memref<64xi32, #tpu.memory_space<smem>>) -> (i32, i32) {
    %c0_i32 = arith.constant 0 : i32
    %c0_i32_0 = arith.constant 0 : i32
    %c0_i32_1 = arith.constant 0 : i32
    return %c0_i32, %c0_i32_0 : i32, i32
  }
  func.func @transform_3(%arg0: i32, %arg1: memref<64xi32, #tpu.memory_space<smem>>) -> (i32, i32) {
    %c0_i32 = arith.constant 0 : i32
    %c0_i32_0 = arith.constant 0 : i32
    %c0_i32_1 = arith.constant 0 : i32
    return %c0_i32, %c0_i32_0 : i32, i32
  }
  func.func @transform_4(%arg0: i32, %arg1: memref<64xi32, #tpu.memory_space<smem>>) -> (i32, i32) {
    %c0_i32 = arith.constant 0 : i32
    %c0_i32_0 = arith.constant 0 : i32
    %c0_i32_1 = arith.constant 0 : i32
    return %c0_i32, %c0_i32_0 : i32, i32
  }
  func.func @transform_5(%arg0: i32, %arg1: memref<64xi32, #tpu.memory_space<smem>>) -> (i32, i32) {
    %c0_i32 = arith.constant 0 : i32
    %c0_i32_0 = arith.constant 0 : i32
    %c0_i32_1 = arith.constant 0 : i32
    return %c0_i32, %c0_i32_0 : i32, i32
  }
  func.func @transform_6(%arg0: i32, %arg1: memref<64xi32, #tpu.memory_space<smem>>) -> (i32, i32) {
    %c0_i32 = arith.constant 0 : i32
    %c0_i32_0 = arith.constant 0 : i32
    %c0_i32_1 = arith.constant 0 : i32
    return %c0_i32, %c0_i32_0 : i32, i32
  }
  func.func @transform_7(%arg0: i32, %arg1: memref<64xi32, #tpu.memory_space<smem>>) -> (i32, i32) {
    %c0_i32 = arith.constant 0 : i32
    %c0_i32_0 = arith.constant 0 : i32
    %c0_i32_1 = arith.constant 0 : i32
    return %c0_i32, %c0_i32_0 : i32, i32
  }
  func.func @transform_8(%arg0: i32, %arg1: memref<64xi32, #tpu.memory_space<smem>>) -> (i32, i32) {
    %c0_i32 = arith.constant 0 : i32
    %c0_i32_0 = arith.constant 0 : i32
    %c0_i32_1 = arith.constant 0 : i32
    return %c0_i32, %c0_i32_0 : i32, i32
  }
  func.func @transform_9(%arg0: i32, %arg1: memref<64xi32, #tpu.memory_space<smem>>) -> (i32, i32) {
    %c0_i32 = arith.constant 0 : i32
    %c0_i32_0 = arith.constant 0 : i32
    return %arg0, %c0_i32 : i32, i32
  }
}

</mosaic_0001>

<sc_bundles>
// kernel: gather_offload_async_start.1
scs
__scs_entry_jumppad:
0x0: {  	(pc) =	sbr.rel $0x88, $3  }
0x1: {  	(tag) =	ssettag $0x0;
	lr =	simm.s32 $0x1  }
0x2: {  	[smem:$0x3F98] =	sst lr;
	_ =	strace $0xD0000000  }
0x3: {  	_ = 	snop  }
0x4: {  	_ = 	snop  }
0x5: {  	_ = 	snop  }
0x6: {  	_ = 	snop  }
0x7: {  	_ = 	snop  }
__scs_overlays_trampoline_lowered:
0x8: {  	[smem:$0x3FA7] =	sst s0  }
0x9: {  	[smem:$0x3FA8] =	sst s1  }
0xa: {  	[smem:$0x3FA9] =	sst s2  }
0xb: {  	[smem:$0x3FAA] =	sst s3  }
0xc: {  	[smem:$0x3FAB] =	sst s4  }
0xd: {  	[smem:$0x3FAC] =	sst s5  }
0xe: {  	[smem:$0x3FAD] =	sst s6  }
0xf: {  	[smem:$0x3FAE] =	sst s7  }
0x10: {  	[smem:$0x3FAF] =	sst s8  }
0x11: {  	[smem:$0x3FB0] =	sst s9;
	s0 =	simm.s32 @!p0 $0x0  }
0x12: {  	s1 =	sld [smem:$0x3F96];
	s0 =	simm.s32 @p0 $0x1  }
0x13: {  	[smem:$0x3FB1] =	sst s0;
	s0 =	simm.s32 @!p1 $0x0  }
0x14: {  	s2 =	sld [smem:$0x3F95];
	s0 =	simm.s32 @p1 $0x1  }
0x15: {  	[smem:$0x3FB2] =	sst s0;
	s0 =	simm.s32 @!p2 $0x0  }
0x16: {  	s3 =	sld [smem:$0x3FDB];
	s0 =	simm.s32 @p2 $0x1  }
0x17: {  	s4 =	simm.s32 $0x1BF5;
	[smem:$0x3FB4] =	sst s0  }
0x18: {  	s0 =	sld [smem:$0x3F97];
	_ =	swait.ge [sflag:s4], $0x0  }
0x19: {  	s7 =	sld [smem:$0x3F98]  }
0x1a: {  	s8 =	sadd.s32 $0xFFFFE003, lr  }
0x1b: {  	s9 =	sadd.s32 $0xFFFFFEF7, lr;
	s5 =	simm.s32 $0xFFFFFFFF;
	p2 =	slt.u32 s8, $0xFFFFF086  }
0x1c: {  	p1 =	slt.u32 s9, $0xF7A;
	s5 =	simm.s32 @!p2 $0x0  }
0x1d: {  	s5 =	simm.s32 @p1 $0x1;
	p0 =	seq.s32 s7, s2  }
0x1e: {  	s7 =	smul.u32 @!p0 $0xF7A, s2;
	p2 =	seq.s32 @!p0 s5, $0x0  }
0x1f: {  	s9 =	smul.u32 $0xF7A, s1;
	s8 =	simm.s32 @!p0 $0x1BF5;
	p2 =	por !p2, p0  }
0x20: {  	[sflag:s8] =	ssyncset.s32 @!p0 $0xFFFFF086;
	s6 =	sadd.s32 @!p0 s3, s7;
	s7 =	simm.s32 @!p0 $0x108  }
0x21: {  	s3 =	sadd.s32 s3, s9;
	s6 =	sadd.s32 @!p0 $0x88, s6;
	s7 =	simm.s32 @p2 $0x1082  }
0x22: {  	[simem:s7], [sflag:s8] =	dma.local @!p0 [hbm:s6], $0xF7A  }
0x23: {  	s9 =	sor.u32 $0xD0000000, s2;
	s6 =	simm.s32 $0x108;
	_ =	swait.ge @!p0 [sflag:s8], $0x0  }
0x24: {  	s3 =	sadd.s32 $0x88, s3;
	s6 =	simm.s32 @!p1 $0x1082;
	[sflag:s4] =	ssyncset.s32 $0xFFFFF086  }
0x25: {  	[simem:s6], [sflag:s4] =	dma.local [hbm:s3], $0xF7A  }
0x26: {  	[smem:$0x3F98] =	sst s1;
	(tag) =	ssettag s2;
	_ =	strace s9  }
0x27: {  	s1 =	sld [smem:$0x3FA8]  }
0x28: {  	s2 =	sld [smem:$0x3FA9]  }
0x29: {  	s4 =	sld [smem:$0x3FAB]  }
0x2a: {  	p0 =	seq.s32 s5, $0x0;
	s5 =	sld [smem:$0x3FAC]  }
0x2b: {  	s6 =	sld [smem:$0x3FAD]  }
0x2c: {  	s7 =	sld [smem:$0x3FAE]  }
0x2d: {  	s3 =	simm.s32 $0x108;
	s8 =	sld [smem:$0x3FAF]  }
0x2e: {  	s3 =	simm.s32 @!p0 $0x1082;
	s9 =	sld [smem:$0x3FB0]  }
0x2f: {  	lr =	sadd.s32 s0, s3;
	s0 =	sld [smem:$0x3FA7]  }
0x30: {  	s3 =	sld [smem:$0x3FAA]  }
0x31: {  	[smem:$0x3FB3] =	sst s10  }
0x32: {  	s10 =	sld [smem:$0x3FB1];
	_ =	sdelay $0x3  }
0x33: {  	p0 =	seq.s32 s10, $0x1;
	s10 =	sld [smem:$0x3FB3];
	_ =	sdelay $0x3  }
0x34: {  	[smem:$0x3FB3] =	sst s10  }
0x35: {  	s10 =	sld [smem:$0x3FB2];
	_ =	sdelay $0x3  }
0x36: {  	p1 =	seq.s32 s10, $0x1;
	s10 =	sld [smem:$0x3FB3];
	_ =	sdelay $0x3  }
0x37: {  	[smem:$0x3FB3] =	sst s10  }
0x38: {  	s10 =	sld [smem:$0x3FB4]  }
0x39: {  	_ = 	snop;
	(pc) =	sbr.ind lr, $3  }
0x3a: {  	_ = 	snop  }
0x3b: {  	_ = 	snop  }
0x3c: {  	p2 =	seq.s32 s10, $0x1;
	s10 =	sld [smem:$0x3FB3]  }
0x3d: {  	_ =	shalt  }
0x3e: {  	_ =	shalt  }
0x3f: {  	_ =	shalt  }
0x40: {  	_ =	shalt  }
0x41: {  	_ =	shalt  }
0x42: {  	_ =	shalt  }
0x43: {  	_ =	shalt  }
0x44: {  	_ =	shalt  }
0x45: {  	_ =	shalt  }
0x46: {  	_ =	shalt  }
0x47: {  	_ =	shalt  }
0x48: {  	_ =	shalt  }
0x49: {  	_ =	shalt  }
0x4a: {  	_ =	shalt  }
0x4b: {  	_ =	shalt  }
0x4c: {  	_ =	shalt  }
0x4d: {  	_ =	shalt  }
0x4e: {  	_ =	shalt  }
0x4f: {  	_ =	shalt  }
0x50: {  	_ =	shalt  }
0x51: {  	_ =	shalt  }
0x52: {  	_ =	shalt  }
0x53: {  	_ =	shalt  }
0x54: {  	_ =	shalt  }
0x55: {  	_ =	shalt  }
0x56: {  	_ =	shalt  }
0x57: {  	_ =	shalt  }
0x58: {  	_ =	shalt  }
0x59: {  	_ =	shalt  }
0x5a: {  	_ =	shalt  }
0x5b: {  	_ =	shalt  }
0x5c: {  	_ =	shalt  }
0x5d: {  	_ =	shalt  }
0x5e: {  	_ =	shalt  }
0x5f: {  	_ =	shalt  }
0x60: {  	_ =	shalt  }
0x61: {  	_ =	shalt  }
0x62: {  	_ =	shalt  }
0x63: {  	_ =	shalt  }
0x64: {  	_ =	shalt  }
0x65: {  	_ =	shalt  }
0x66: {  	_ =	shalt  }
0x67: {  	_ =	shalt  }
0x68: {  	_ =	shalt  }
0x69: {  	_ =	shalt  }
0x6a: {  	_ =	shalt  }
0x6b: {  	_ =	shalt  }
0x6c: {  	_ =	shalt  }
0x6d: {  	_ =	shalt  }
0x6e: {  	_ =	shalt  }
0x6f: {  	_ =	shalt  }
0x70: {  	_ =	shalt  }
0x71: {  	_ =	shalt  }
0x72: {  	_ =	shalt  }
0x73: {  	_ =	shalt  }
0x74: {  	_ =	shalt  }
0x75: {  	_ =	shalt  }
0x76: {  	_ =	shalt  }
0x77: {  	_ =	shalt  }
0x78: {  	_ =	shalt  }
0x79: {  	_ =	shalt  }
0x7a: {  	_ =	shalt  }
0x7b: {  	_ =	shalt  }
0x7c: {  	_ =	shalt  }
0x7d: {  	_ =	shalt  }
0x7e: {  	_ =	shalt  }
0x7f: {  	_ =	shalt  }
0x80: {  	_ =	shalt  }
0x81: {  	_ =	shalt  }
0x82: {  	_ =	shalt  }
0x83: {  	_ =	shalt  }
0x84: {  	_ =	shalt  }
0x85: {  	_ =	shalt  }
0x86: {  	_ =	shalt  }
0x87: {  	_ =	shalt  }
.Lfunc_end0:
.L_simem_size_0:
called_computation.1_lowered:
.L_overlay_start_0:
0x88: {  	s2 =	sld [smem:$0x3FD9]  }
0x89: {  	s3 =	sld [smem:$0x3FFE];
	_ =	sdelay $0x1  }
0x8a: {  	s1 =	srdreg.scid  }
0x8b: {  	s0 =	sand.u32 $0x1, s1  }
0x8c: {  	s16 =	sshll.u32 s0, $0xA;
	s2 =	sadd.s32 s3, s2  }
0x8d: {  	s2 =	sadd.s32 s2, s16  }
0x8e: {  	[smem:$0x3FBF] =	sst s2  }
0x8f: {  	_ = 	snop  }
0x90: {  	(tm) =	ssettm $0x1  }
0x91: {  	s17 =	sld [smem:$0x3FFB];
	_ =	sdelay $0x3  }
0x92: {  	_ =	strace s17  }
0x93: {  	s2 =	sld [smem:$0x3FFC];
	_ =	sdelay $0x3  }
0x94: {  	_ =	strace s2  }
0x95: {  	s2 =	sld [smem:$0x3FFD];
	_ =	sdelay $0x3  }
0x96: {  	_ =	strace s2  }
0x97: {  	_ =	strace $0x8FFFFFFF  }
0x98: {  	s18 =	sld [smem:$0x3FDB];
	_ =	sdelay $0x1  }
0x99: {  	s19 =	simm.s32 $_scs_section_size  }
0x9a: {  	s4 =	simm.s32 $_size__tile_overlayer_lowered;
	s5 =	simm.s32 $_tile_overlayer_lowered  }
0x9b: {  	s22 =	simm.s32 $0x1BFF;
	s21 =	sshll.u32 s5, $0x1;
	s2 =	sadd.s32 s19, s18  }
0x9c: {  	s6 =	simm.s32 $0x0;
	s20 =	sshll.u32 s4, $0x1;
	s4 =	sadd.s32 s21, s2  }
0x9d: {  	[timem:s6], [sflag:s22] =	dma.local [hbm:s4], s20  }
0x9e: {  	_ =	swait.ge [sflag:s22], s20  }
0x9f: {  	s3 =	ssub.s32 $0x0, s20;
	[sflag:s22] =	ssyncset.done $0x0  }
0xa0: {  	[sflag:s22] =	ssyncadd.s32 s3;
	_ =	sdelay $0x1  }
0xa1: {  	s23 =	simm.s32 $0x1B8B  }
0xa2: {  	_ =	swait.ge [sflag:s23], $0x1  }
0xa3: {  	[sflag:s23] =	ssyncset.done $0x0  }
0xa4: {  	s25 =	simm.s32 $0x1B8E;
	s24 =	sld [smem:$0x3FFE];
	[sflag:s23] =	ssyncadd.s32 $0xFFFFFFFF  }
0xa5: {  	s26 =	simm.s32 $execute0_lowered;
	[smem:$0x3FD2] =	sst s25  }
0xa6: {  	s4 =	sshll.u32 s26, $0x1;
	_ =	strace $0x80000046;
	[dreg:$0x1] =	wrdreg $0xFFFFFFFF  }
0xa7: {  	s28 =	simm.s32 $_size_execute0_lowered;
	s2 =	sadd.s32 s2, s4;
	[dreg:$0x0] =	wrdreg $0x0  }
0xa8: {  	s4 =	sshll.u32 s28, $0x1;
	[dreg:$0x2] =	wrdreg s2  }
0xa9: {  	[dreg:$0x3] =	wrdreg s4  }
0xaa: {  	[dreg:$0x4] =	wrdreg $0xC0  }
0xab: {  	_ =	task [dreg:s6], $0x5FFFF  }
0xac: {  	[dreg:$0x1] =	wrdreg $0xFFFFFFFF  }
0xad: {  	[dreg:$0x0] =	wrdreg $0x60  }
0xae: {  	[dreg:$0x2] =	wrdreg s24  }
0xaf: {  	[dreg:$0x3] =	wrdreg $0xA  }
0xb0: {  	_ =	task.clear_ibuf [dreg:s6], $0x4FFFF;
	_ =	strace $0x90000046  }
0xb1: {  	s29 =	simm.s32 $0xA;
	_ =	strace $0x80000048  }
0xb2: {  	_ =	swait.ge [sflag:s29], $0x1  }
0xb3: {  	[sflag:s29] =	ssyncadd.s32 $0xFFFFFFFF  }
0xb4: {  	_ =	strace $0x90000048  }
0xb5: {  	_ =	sfence  }
0xb6: {  	s30 =	sld [smem:$0x0];
	_ =	sdelay $0x2  }
0xb7: {  	s31 =	sshll.u32 s1, $0xD;
	s1 =	sshrl.u32 s1, $0x2  }
0xb8: {  	s3 =	sand.u32 $0x4000, s31;
	s1 =	sadd.s32 s1, s30  }
0xb9: {  	s0 =	sor.u32 s3, s0;
	s1 =	sshll.u32 s1, $0x11  }
0xba: {  	s0 =	sor.u32 s1, s0  }
0xbb: {  	s0 =	sadd.s32 $0x8F2B, s0  }
0xbc: {  	[sflag:s0] =	ssyncadd.remote.s32 $0x1  }
0xbd: {  	_ =	sfence.sel $0xFFFF  }
0xbe: {  	[dreg:$0x0] =	wrdreg $0xFFFFFFFF;
	(pc) =	sbr.abs _section_cstart, $3  }
0xbf: {  	[dreg:$0x1] =	wrdreg $0xFFFFFFFF  }
0xc0: {  	_ =	task.clear_ibuf [dreg:s6], $0x2FFFF;
	_ =	strace $0x9FFFFFFF  }
0xc1: {  	(tm) =	ssettm $0x7FFFFFFF  }
tec
execute0_lowered:
.L_overlay_start_1:
0x0: {  	(tag) =	ssettag $0x1  }
0x1: {  	s7 =	rddreg [dreg:$0x0]  }
0x2: {  	s0 =	rddreg [dreg:$0x1];
	_ =	strace $0x80000047  }
0x3: {  	s1 =	srdreg.scid;
	s4 =	simm.s32 $0x1;
	s9 =	simm.s32 $0x3  }
0x4: {  	s11 =	simm.s32 $0x0;
	p0 =	por $0x0, $0x0;
	s5 =	sshll.u32 s1, $0x4  }
.Ltmp0:
0x5: {  	s1 =	stileid.u32;
	s5 =	sand.u32 $0x10, s5;
	(pc) =	sbr.rel .LBB2_1-.Ltmp0, $4  }
0x6: {  	s2 =	sadd.s32 $0x400, s7;
	s3 =	sadd.s32 $0x40400, s7;
	s6 =	sor.u32 s1, s5  }
0x7: {  	[sflag:s4] =	ssyncpa.u1 $0x0;
	s5 =	simm.s32 $0x2;
	s6 =	sshll.u32 s6, $0x9  }
0x8: {  	s7 =	sadd.s32 $0x41C00, s7;
	[sflag:s5] =	ssyncpa.u1 $0x0;
	s8 =	sadd.s32 $0x200, s6  }
0x9: {  	vm0 =	vmmov $0xff;
	vm1 =	vcmask $0x3F20;
	[sflag:s9] =	ssyncpa.u1 $0x0;
	s10 =	smov.u32 s6;
	s9 =	simm.s32 $0x0  }
.LBB2_7:
0xa: {  	p1 =	slt.u32 s9, $0x2;
	s11 =	sadd.s32 $0x100, s10  }
0xb: {  	s13 =	smov.u32 s6;
	s9 =	sadd.s32 $0x1, s9;
	p2 =	slt.s32 s11, s8  }
0xc: {  	s13 =	smov.u32 @p2 s11;
	p2 =	sne.s32 s9, $0x4  }
.Ltmp1:
0xd: {  	_ = 	snop;
	(pc) =	sbr.rel @!p2 .LBB2_8-.Ltmp1, $4  }
0xe: {  	s12 =	simm.s32 @!p1 $0x3  }
0xf: {  	_ =	swait.ge @!p1 [sflag:s12], $0x8000  }
0x10: {  	p0 =	por !p0, !p0;
	[sflag:s12] =	ssyncset.done @!p1 $0x0  }
0x11: {  	s11 =	smov.u32 s10;
	s10 =	smov.u32 s13;
	[sflag:s12] =	ssyncadd.s32 @!p1 $0xFFFF8000  }
.LBB2_1:
0x12: {  	p1 =	sgt.u32 s9, $0x1  }
0x13: {  	s12 =	sshll.u32 @!p1 s9, $0x8;
	s13 =	sshrl.u32 @!p1 s10, $0x3  }
0x14: {  	s14 =	sand.u32 @!p1 $0x7, s10;
	s12 =	sxor.u32 @!p1 $0x100, s12;
	s13 =	sadd.s32 @!p1 s3, s13  }
0x15: {  	[tilespmem:s12], [sflag:$0x2] =	stream.linear.gather @!p1 [hbm4b:s13+s14], $0x100, $0x38;
	[tilespmem:$0x10200] =	vst v63  }
0x16: {  	p1 =	seq.s32 s9, $0x0  }
0x17: {  	p2 =	seq.s32 @!p1 s9, $0x3  }
0x18: {  	p1 =	por p1, p2  }
.Ltmp2:
0x19: {  	_ = 	snop;
	(pc) =	sbr.rel @p1 .LBB2_7-.Ltmp2, $1  }
0x1a: {  	_ =	sdelay $0x3  }
0x1b: {  	s12 =	simm.s32 $0x1  }
0x1c: {  	_ =	swait.ge [sflag:s5], $0x100;
	s12 =	simm.s32 @!p0 $0x0  }
0x1d: {  	[sflag:s5] =	ssyncset.done $0x0;
	s14 =	sshll.u32 s12, $0x8  }
0x1e: {  	[sflag:s5] =	ssyncadd.s32 $0xFFFFFF00;
	s13 =	sadd.s32 $0x0, s14  }
0x1f: {  	v0 =	vld.msk [tilespmem:s13+$0x0 ss:$0x1], $0xffff;
	_ =	sdelay $0x4  }
0x20: {  	vm2 =	vgt.s32 v0, $0x0  }
0x21: {  	v0 =	vnsel vm2, $0x0, v0  }
0x22: {  	v0 =	vmin.u32 v0, $0x3FFF  }
0x23: {  	v0 =	vshll.u32 v0, $0x4;
	_ =	sdelay $0x2  }
0x24: {  	s12 =	sshll.u32 s12, $0xF  }
0x25: {  	s12 =	sor.u32 $0x200, s12  }
0x26: {  	[tilespmem:s12], [sflag:$0x1] =	stream.indirect_vreg.gather [hbm:s2], $0x80, v0, vm0, $0x38;
	[tilespmem:$0x10200] =	vst v63  }
0x27: {  	s15 =	sadd.s32 $0x10, s14;
	s13 =	sadd.s32 $0x400, s12  }
0x28: {  	[tilespmem:s13], [sflag:$0x1] =	stream.indirect_vreg.gather [hbm:s2], $0x80, v0, vm1, $0x38;
	[tilespmem:$0x10200] =	vst v63  }
0x29: {  	s16 =	simm.s32 $0x80;
	v0 =	vld.msk [tilespmem:s15+$0x0 ss:$0x1], $0xffff;
	s15 =	smov.u32 s12  }
.LBB2_3:
0x2a: {  	p1 =	sne.s32 s16, $0x3C0;
	_ =	sdelay $0x4  }
0x2b: {  	vm2 =	vgt.s32 v0, $0x0  }
0x2c: {  	v0 =	vnsel vm2, $0x0, v0  }
0x2d: {  	v0 =	vmin.u32 v0, $0x3FFF  }
0x2e: {  	v0 =	vshll.u32 v0, $0x4;
	_ =	sdelay $0x3  }
.Ltmp3:
0x2f: {  	s17 =	sshra.s32 s16, $0x2;
	s15 =	sadd.s32 $0x800, s15;
	(pc) =	sbr.rel @p1 .LBB2_3-.Ltmp3, $4  }
0x30: {  	[tilespmem:s15], [sflag:$0x1] =	stream.indirect_vreg.gather [hbm:s2], $0x80, v0, vm0, $0x38;
	[tilespmem:$0x10200] =	vst v63  }
0x31: {  	s17 =	sadd.s32 s17, s14;
	s18 =	sadd.s32 $0x400, s15  }
0x32: {  	[tilespmem:s18], [sflag:$0x1] =	stream.indirect_vreg.gather [hbm:s2], $0x80, v0, vm1, $0x38;
	[tilespmem:$0x10200] =	vst v63  }
0x33: {  	s16 =	sadd.s32 $0x40, s16;
	v0 =	vld.msk [tilespmem:s17+$0x0 ss:$0x1], $0xffff  }
0x34: {  	_ =	sdelay $0x3  }
0x35: {  	vm2 =	vgt.s32 v0, $0x0  }
0x36: {  	v0 =	vnsel vm2, $0x0, v0  }
0x37: {  	v0 =	vmin.u32 v0, $0x3FFF  }
0x38: {  	v0 =	vshll.u32 v0, $0x4;
	_ =	sdelay $0x3  }
0x39: {  	s14 =	sadd.s32 $0x800, s15  }
0x3a: {  	[tilespmem:s14], [sflag:$0x1] =	stream.indirect_vreg.gather [hbm:s2], $0x80, v0, vm0, $0x38;
	[tilespmem:$0x10200] =	vst v63  }
0x3b: {  	s14 =	sadd.s32 $0x400, s14  }
0x3c: {  	[tilespmem:s14], [sflag:$0x1] =	stream.indirect_vreg.gather [hbm:s2], $0x80, v0, vm1, $0x38;
	[tilespmem:$0x10200] =	vst v63  }
0x3d: {  	s11 =	sshll.u32 s11, $0x4;
	_ =	swait.ge [sflag:s4], $0x8000  }
0x3e: {  	s11 =	sadd.s32 s11, s7;
	[sflag:s4] =	ssyncset.done $0x0  }
0x3f: {  	s15 =	sadd.s32 $0x0, s11;
	s14 =	simm.s32 $0x80;
	[sflag:s4] =	ssyncadd.s32 $0xFFFF8000  }
.LBB2_5:
0x40: {  	[hbm:s15] =	stream.linear.scatter [tilespmem:s12], [sflag:$0x3], $0x400, $0x38;
	[tilespmem:$0x10200] =	vst v63  }
0x41: {  	s15 =	smov.u32 s14;
	s12 =	smov.u32 s13;
	p1 =	sne.s32 s14, $0xF80  }
.Ltmp4:
0x42: {  	s14 =	sadd.s32 $0x80, s14;
	(pc) =	sbr.rel @p1 .LBB2_5-.Ltmp4, $2  }
0x43: {  	_ =	sdelay $0x2  }
0x44: {  	s13 =	sadd.s32 $0x400, s13;
	s15 =	sadd.s32 s15, s11  }
.Ltmp5:
0x45: {  	(pc) =	sbr.rel .LBB2_7-.Ltmp5, $2  }
0x46: {  	_ =	sdelay $0x2  }
0x47: {  	[hbm:s15] =	stream.linear.scatter [tilespmem:s12], [sflag:$0x3], $0x400, $0x38;
	[tilespmem:$0x10200] =	vst v63  }
.LBB2_8:
0x48: {  	_ =	sfence.sel $0x180000  }
0x49: {  	s2 =	simm.s32 $0x2;
	[bflag:$0x0] =	sbarrier.arrive $0xFFFF  }
0x4a: {  	s30 =	simm.s32 $0x3;
	[sflag:s2] =	ssyncpa.u1 $0x1  }
0x4b: {  	s31 =	simm.s32 $0x1;
	[sflag:s30] =	ssyncpa.u1 $0x1  }
0x4c: {  	[sflag:s31] =	ssyncpa.u1 $0x1  }
0x4d: {  	p0 =	sne.s32 s1, $0x0;
	_ =	strace $0x90000047  }
0x4e: {  	s0 =	sadd.s32 @!p0 $0x100000, s0;
	[bflag:$0x2] =	sbarrier.arrive $0xFFFF  }
0x4f: {  	[sflag:s0] =	ssyncadd.tile.s32 @!p0 $0x1;
	_ =	shalt  }
.Lfunc_end2:
_tile_overlayer_lowered:
.L_overlay_start_2:
0x50: {  	(tag) =	ssettag $0x2  }
0x51: {  	s0 =	rddreg [dreg:$0x0];
	s2 =	stileid.u32  }
0x52: {  	s1 =	rddreg [dreg:$0x1];
	p0 =	sne.s32 s2, $0x0  }
0x53: {  	s3 =	rddreg [dreg:$0x2];
	[bflag:$0x3] =	sbarrier.arrive $0xFFFF;
	s2 =	simm.s32 @!p0 $0x1C01  }
0x54: {  	[timem:s3], [sflag:s2] =	dma.local @!p0 [hbm:s0], s1  }
0x55: {  	s0 =	simm.s32 @!p0 $0x1  }
0x56: {  	_ =	swait.ge @!p0 [sflag:s0], s1  }
0x57: {  	s1 =	ssub.s32 @!p0 $0x0, s1;
	[sflag:s0] =	ssyncset.done @!p0 $0x0  }
0x58: {  	[sflag:s0] =	ssyncadd.s32 @!p0 s1  }
0x59: {  	[bflag:$0x3] =	sbarrier.arrive $0xFFFF  }
0x5a: {  	_ =	shalt  }

// kernel: gather_offload_async_start.2
scs
__scs_entry_jumppad:
0x0: {  	(pc) =	sbr.rel $0x88, $3  }
0x1: {  	(tag) =	ssettag $0x0;
	lr =	simm.s32 $0x1  }
0x2: {  	[smem:$0x3F98] =	sst lr;
	_ =	strace $0xD0000000  }
0x3: {  	_ = 	snop  }
0x4: {  	_ = 	snop  }
0x5: {  	_ = 	snop  }
0x6: {  	_ = 	snop  }
0x7: {  	_ = 	snop  }
__scs_overlays_trampoline_lowered:
0x8: {  	[smem:$0x3FA7] =	sst s0  }
0x9: {  	[smem:$0x3FA8] =	sst s1  }
0xa: {  	[smem:$0x3FA9] =	sst s2  }
0xb: {  	[smem:$0x3FAA] =	sst s3  }
0xc: {  	[smem:$0x3FAB] =	sst s4  }
0xd: {  	[smem:$0x3FAC] =	sst s5  }
0xe: {  	[smem:$0x3FAD] =	sst s6  }
0xf: {  	[smem:$0x3FAE] =	sst s7  }
0x10: {  	[smem:$0x3FAF] =	sst s8  }
0x11: {  	[smem:$0x3FB0] =	sst s9;
	s0 =	simm.s32 @!p0 $0x0  }
0x12: {  	s1 =	sld [smem:$0x3F96];
	s0 =	simm.s32 @p0 $0x1  }
0x13: {  	[smem:$0x3FB1] =	sst s0;
	s0 =	simm.s32 @!p1 $0x0  }
0x14: {  	s2 =	sld [smem:$0x3F95];
	s0 =	simm.s32 @p1 $0x1  }
0x15: {  	[smem:$0x3FB2] =	sst s0;
	s0 =	simm.s32 @!p2 $0x0  }
0x16: {  	s3 =	sld [smem:$0x3FDB];
	s0 =	simm.s32 @p2 $0x1  }
0x17: {  	s4 =	simm.s32 $0x1BF5;
	[smem:$0x3FB4] =	sst s0  }
0x18: {  	s0 =	sld [smem:$0x3F97];
	_ =	swait.ge [sflag:s4], $0x0  }
0x19: {  	s7 =	sld [smem:$0x3F98]  }
0x1a: {  	s8 =	sadd.s32 $0xFFFFE003, lr  }
0x1b: {  	s9 =	sadd.s32 $0xFFFFFEF7, lr;
	s5 =	simm.s32 $0xFFFFFFFF;
	p2 =	slt.u32 s8, $0xFFFFF086  }
0x1c: {  	p1 =	slt.u32 s9, $0xF7A;
	s5 =	simm.s32 @!p2 $0x0  }
0x1d: {  	s5 =	simm.s32 @p1 $0x1;
	p0 =	seq.s32 s7, s2  }
0x1e: {  	s7 =	smul.u32 @!p0 $0xF7A, s2;
	p2 =	seq.s32 @!p0 s5, $0x0  }
0x1f: {  	s9 =	smul.u32 $0xF7A, s1;
	s8 =	simm.s32 @!p0 $0x1BF5;
	p2 =	por !p2, p0  }
0x20: {  	[sflag:s8] =	ssyncset.s32 @!p0 $0xFFFFF086;
	s6 =	sadd.s32 @!p0 s3, s7;
	s7 =	simm.s32 @!p0 $0x108  }
0x21: {  	s3 =	sadd.s32 s3, s9;
	s6 =	sadd.s32 @!p0 $0x88, s6;
	s7 =	simm.s32 @p2 $0x1082  }
0x22: {  	[simem:s7], [sflag:s8] =	dma.local @!p0 [hbm:s6], $0xF7A  }
0x23: {  	s9 =	sor.u32 $0xD0000000, s2;
	s6 =	simm.s32 $0x108;
	_ =	swait.ge @!p0 [sflag:s8], $0x0  }
0x24: {  	s3 =	sadd.s32 $0x88, s3;
	s6 =	simm.s32 @!p1 $0x1082;
	[sflag:s4] =	ssyncset.s32 $0xFFFFF086  }
0x25: {  	[simem:s6], [sflag:s4] =	dma.local [hbm:s3], $0xF7A  }
0x26: {  	[smem:$0x3F98] =	sst s1;
	(tag) =	ssettag s2;
	_ =	strace s9  }
0x27: {  	s1 =	sld [smem:$0x3FA8]  }
0x28: {  	s2 =	sld [smem:$0x3FA9]  }
0x29: {  	s4 =	sld [smem:$0x3FAB]  }
0x2a: {  	p0 =	seq.s32 s5, $0x0;
	s5 =	sld [smem:$0x3FAC]  }
0x2b: {  	s6 =	sld [smem:$0x3FAD]  }
0x2c: {  	s7 =	sld [smem:$0x3FAE]  }
0x2d: {  	s3 =	simm.s32 $0x108;
	s8 =	sld [smem:$0x3FAF]  }
0x2e: {  	s3 =	simm.s32 @!p0 $0x1082;
	s9 =	sld [smem:$0x3FB0]  }
0x2f: {  	lr =	sadd.s32 s0, s3;
	s0 =	sld [smem:$0x3FA7]  }
0x30: {  	s3 =	sld [smem:$0x3FAA]  }
0x31: {  	[smem:$0x3FB3] =	sst s10  }
0x32: {  	s10 =	sld [smem:$0x3FB1];
	_ =	sdelay $0x3  }
0x33: {  	p0 =	seq.s32 s10, $0x1;
	s10 =	sld [smem:$0x3FB3];
	_ =	sdelay $0x3  }
0x34: {  	[smem:$0x3FB3] =	sst s10  }
0x35: {  	s10 =	sld [smem:$0x3FB2];
	_ =	sdelay $0x3  }
0x36: {  	p1 =	seq.s32 s10, $0x1;
	s10 =	sld [smem:$0x3FB3];
	_ =	sdelay $0x3  }
0x37: {  	[smem:$0x3FB3] =	sst s10  }
0x38: {  	s10 =	sld [smem:$0x3FB4]  }
0x39: {  	_ = 	snop;
	(pc) =	sbr.ind lr, $3  }
0x3a: {  	_ = 	snop  }
0x3b: {  	_ = 	snop  }
0x3c: {  	p2 =	seq.s32 s10, $0x1;
	s10 =	sld [smem:$0x3FB3]  }
0x3d: {  	_ =	shalt  }
0x3e: {  	_ =	shalt  }
0x3f: {  	_ =	shalt  }
0x40: {  	_ =	shalt  }
0x41: {  	_ =	shalt  }
0x42: {  	_ =	shalt  }
0x43: {  	_ =	shalt  }
0x44: {  	_ =	shalt  }
0x45: {  	_ =	shalt  }
0x46: {  	_ =	shalt  }
0x47: {  	_ =	shalt  }
0x48: {  	_ =	shalt  }
0x49: {  	_ =	shalt  }
0x4a: {  	_ =	shalt  }
0x4b: {  	_ =	shalt  }
0x4c: {  	_ =	shalt  }
0x4d: {  	_ =	shalt  }
0x4e: {  	_ =	shalt  }
0x4f: {  	_ =	shalt  }
0x50: {  	_ =	shalt  }
0x51: {  	_ =	shalt  }
0x52: {  	_ =	shalt  }
0x53: {  	_ =	shalt  }
0x54: {  	_ =	shalt  }
0x55: {  	_ =	shalt  }
0x56: {  	_ =	shalt  }
0x57: {  	_ =	shalt  }
0x58: {  	_ =	shalt  }
0x59: {  	_ =	shalt  }
0x5a: {  	_ =	shalt  }
0x5b: {  	_ =	shalt  }
0x5c: {  	_ =	shalt  }
0x5d: {  	_ =	shalt  }
0x5e: {  	_ =	shalt  }
0x5f: {  	_ =	shalt  }
0x60: {  	_ =	shalt  }
0x61: {  	_ =	shalt  }
0x62: {  	_ =	shalt  }
0x63: {  	_ =	shalt  }
0x64: {  	_ =	shalt  }
0x65: {  	_ =	shalt  }
0x66: {  	_ =	shalt  }
0x67: {  	_ =	shalt  }
0x68: {  	_ =	shalt  }
0x69: {  	_ =	shalt  }
0x6a: {  	_ =	shalt  }
0x6b: {  	_ =	shalt  }
0x6c: {  	_ =	shalt  }
0x6d: {  	_ =	shalt  }
0x6e: {  	_ =	shalt  }
0x6f: {  	_ =	shalt  }
0x70: {  	_ =	shalt  }
0x71: {  	_ =	shalt  }
0x72: {  	_ =	shalt  }
0x73: {  	_ =	shalt  }
0x74: {  	_ =	shalt  }
0x75: {  	_ =	shalt  }
0x76: {  	_ =	shalt  }
0x77: {  	_ =	shalt  }
0x78: {  	_ =	shalt  }
0x79: {  	_ =	shalt  }
0x7a: {  	_ =	shalt  }
0x7b: {  	_ =	shalt  }
0x7c: {  	_ =	shalt  }
0x7d: {  	_ =	shalt  }
0x7e: {  	_ =	shalt  }
0x7f: {  	_ =	shalt  }
0x80: {  	_ =	shalt  }
0x81: {  	_ =	shalt  }
0x82: {  	_ =	shalt  }
0x83: {  	_ =	shalt  }
0x84: {  	_ =	shalt  }
0x85: {  	_ =	shalt  }
0x86: {  	_ =	shalt  }
0x87: {  	_ =	shalt  }
.Lfunc_end0:
.L_simem_size_0:
called_computation.2_lowered:
.L_overlay_start_0:
0x88: {  	s2 =	sld [smem:$0x3FD9]  }
0x89: {  	s3 =	sld [smem:$0x3FFE];
	_ =	sdelay $0x1  }
0x8a: {  	s1 =	srdreg.scid  }
0x8b: {  	s0 =	sand.u32 $0x1, s1  }
0x8c: {  	s17 =	sshll.u32 s0, $0xA;
	s2 =	sadd.s32 s3, s2  }
0x8d: {  	s2 =	sadd.s32 s2, s17  }
0x8e: {  	[smem:$0x3FBF] =	sst s2  }
0x8f: {  	_ = 	snop  }
0x90: {  	s18 =	sld [smem:$0x3FD0];
	(tm) =	ssettm $0x1  }
0x91: {  	s19 =	sld [smem:$0x3FFB];
	_ =	sdelay $0x3  }
0x92: {  	_ =	strace s19  }
0x93: {  	s2 =	sld [smem:$0x3FFC];
	_ =	sdelay $0x3  }
0x94: {  	_ =	strace s2  }
0x95: {  	s2 =	sld [smem:$0x3FFD];
	_ =	sdelay $0x3  }
0x96: {  	_ =	strace s2  }
0x97: {  	_ =	strace $0x8FFFFFFF  }
0x98: {  	s20 =	sld [smem:$0x3FDB];
	_ =	sdelay $0x1  }
0x99: {  	s4 =	simm.s32 $_scs_section_size  }
0x9a: {  	s5 =	simm.s32 $_size__tile_overlayer_lowered;
	s6 =	simm.s32 $_tile_overlayer_lowered  }
0x9b: {  	s7 =	simm.s32 $0x1BFF;
	s21 =	sshll.u32 s6, $0x1;
	s4 =	sadd.s32 s4, s20  }
0x9c: {  	s22 =	simm.s32 $0x0;
	s5 =	sshll.u32 s5, $0x1;
	s6 =	sadd.s32 s21, s4  }
0x9d: {  	[timem:s22], [sflag:s7] =	dma.local [hbm:s6], s5  }
0x9e: {  	_ =	swait.ge [sflag:s7], s5  }
0x9f: {  	s5 =	ssub.s32 $0x0, s5;
	[sflag:s7] =	ssyncset.done $0x0  }
0xa0: {  	[sflag:s7] =	ssyncadd.s32 s5;
	_ =	sdelay $0x1  }
0xa1: {  	s23 =	simm.s32 $0x1B8B  }
0xa2: {  	_ =	swait.ge [sflag:s23], $0x1  }
0xa3: {  	[sflag:s23] =	ssyncset.done $0x0  }
0xa4: {  	[sflag:s23] =	ssyncadd.s32 $0xFFFFFFFF  }
0xa5: {  	s5 =	sld [smem:$0x0]  }
0xa6: {  	s6 =	sand.u32 $0xFFFFFFFE, s1  }
0xa7: {  	p0 =	sne.s32 s1, s6  }
0xa8: {  	s6 =	sshll.u32 @p0 s6, $0xE  }
0xa9: {  	s6 =	sadd.s32 @p0 $0x11B8D, s6;
	s7 =	sshll.u32 @p0 s5, $0x11  }
0xaa: {  	s6 =	sor.u32 @p0 s7, s6  }
0xab: {  	[sflag:s6] =	ssyncadd.remote.s32 @p0 $0x1;
	_ =	sdelay $0x1  }
0xac: {  	s6 =	simm.s32 @p0 $0x1B8D  }
0xad: {  	_ =	swait.eq @p0 [sflag:s6], $0x1  }
0xae: {  	[sflag:s6] =	ssyncadd.s32 @p0 $0xFFFFFFFF  }
0xaf: {  	s7 =	sshll.u32 @!p0 s1, $0xE  }
0xb0: {  	s7 =	sor.u32 @!p0 $0x4000, s7;
	s6 =	simm.s32 @!p0 $0x1B8D  }
0xb1: {  	s5 =	sshll.u32 @!p0 s5, $0x11;
	s7 =	sadd.s32 @!p0 $0x11B8D, s7;
	_ =	swait.eq @!p0 [sflag:s6], $0x1  }
0xb2: {  	s5 =	sor.u32 @!p0 s5, s7;
	[sflag:s6] =	ssyncadd.s32 @!p0 $0xFFFFFFFF  }
0xb3: {  	s25 =	simm.s32 $0x1B8E;
	s24 =	sld [smem:$0x3FFE];
	[sflag:s5] =	ssyncadd.remote.s32 @!p0 $0x1  }
0xb4: {  	s26 =	simm.s32 $execute0_lowered;
	[smem:$0x3FD2] =	sst s25  }
0xb5: {  	s6 =	sshll.u32 s26, $0x1;
	_ =	strace $0x8000004C;
	[dreg:$0x1] =	wrdreg $0xFFFFFFFF  }
0xb6: {  	s28 =	simm.s32 $_size_execute0_lowered;
	s4 =	sadd.s32 s4, s6;
	[dreg:$0x0] =	wrdreg $0x0  }
0xb7: {  	s6 =	sshll.u32 s28, $0x1;
	[dreg:$0x2] =	wrdreg s4  }
0xb8: {  	[dreg:$0x3] =	wrdreg s6  }
0xb9: {  	[dreg:$0x4] =	wrdreg $0xC0  }
0xba: {  	_ =	task [dreg:s22], $0x5FFFF  }
0xbb: {  	[dreg:$0x1] =	wrdreg $0xFFFFFFFF  }
0xbc: {  	[dreg:$0x0] =	wrdreg $0x60  }
0xbd: {  	[dreg:$0x2] =	wrdreg s24  }
0xbe: {  	[dreg:$0x3] =	wrdreg s18  }
0xbf: {  	[dreg:$0x4] =	wrdreg $0xA  }
0xc0: {  	_ =	task.clear_ibuf [dreg:s22], $0x5FFFF;
	_ =	strace $0x9000004C  }
0xc1: {  	s29 =	simm.s32 $0xA;
	_ =	strace $0x8000004E  }
0xc2: {  	_ =	swait.ge [sflag:s29], $0x1  }
0xc3: {  	[sflag:s29] =	ssyncadd.s32 $0xFFFFFFFF  }
0xc4: {  	_ =	strace $0x9000004E  }
0xc5: {  	_ =	sfence  }
0xc6: {  	s30 =	sld [smem:$0x0];
	_ =	sdelay $0x2  }
0xc7: {  	s31 =	sshll.u32 s1, $0xD;
	s1 =	sshrl.u32 s1, $0x2  }
0xc8: {  	s4 =	sand.u32 $0x4000, s31;
	s1 =	sadd.s32 s1, s30  }
0xc9: {  	s0 =	sor.u32 s4, s0;
	s1 =	sshll.u32 s1, $0x11  }
0xca: {  	s0 =	sor.u32 s1, s0  }
0xcb: {  	s0 =	sadd.s32 $0x8F2B, s0  }
0xcc: {  	[sflag:s0] =	ssyncadd.remote.s32 $0x1  }
0xcd: {  	_ =	sfence.sel $0xFFFF  }
0xce: {  	[dreg:$0x0] =	wrdreg $0xFFFFFFFF;
	(pc) =	sbr.abs _section_cstart, $3  }
0xcf: {  	[dreg:$0x1] =	wrdreg $0xFFFFFFFF  }
0xd0: {  	_ =	task.clear_ibuf [dreg:s22], $0x2FFFF;
	_ =	strace $0x9FFFFFFF  }
0xd1: {  	(tm) =	ssettm $0x7FFFFFFF  }
tec
execute0_lowered:
.L_overlay_start_1:
0x0: {  	(tag) =	ssettag $0x1  }
0x1: {  	s7 =	rddreg [dreg:$0x0]  }
0x2: {  	s2 =	rddreg [dreg:$0x1]  }
0x3: {  	s0 =	rddreg [dreg:$0x2]  }
0x4: {  	s1 =	srdreg.scid;
	_ =	strace $0x8000004D;
	s4 =	simm.s32 $0x1  }
0x5: {  	s9 =	simm.s32 $0x3;
	s11 =	simm.s32 $0x0;
	s5 =	sshll.u32 s1, $0x4  }
.Ltmp0:
0x6: {  	s1 =	stileid.u32;
	s5 =	sand.u32 $0x10, s5;
	(pc) =	sbr.rel .LBB2_1-.Ltmp0, $4  }
0x7: {  	p0 =	por $0x0, $0x0;
	s3 =	sadd.s32 $0x102000, s7;
	s6 =	sor.u32 s1, s5  }
0x8: {  	[sflag:s4] =	ssyncpa.u1 $0x0;
	s5 =	simm.s32 $0x2;
	s6 =	sshll.u32 s6, $0xA  }
0x9: {  	s7 =	sadd.s32 $0x203200, s7;
	[sflag:s5] =	ssyncpa.u1 $0x0;
	s8 =	sadd.s32 $0x400, s6  }
0xa: {  	vm0 =	vmmov $0xff;
	vm1 =	vcmask $0x3F20;
	[sflag:s9] =	ssyncpa.u1 $0x0;
	s10 =	smov.u32 s6;
	s9 =	simm.s32 $0x0  }
.LBB2_7:
0xb: {  	p1 =	slt.u32 s9, $0x2;
	s11 =	sadd.s32 $0x100, s10  }
0xc: {  	s13 =	smov.u32 s6;
	s9 =	sadd.s32 $0x1, s9;
	p2 =	slt.s32 s11, s8  }
0xd: {  	s13 =	smov.u32 @p2 s11;
	p2 =	sne.s32 s9, $0x6  }
.Ltmp1:
0xe: {  	_ = 	snop;
	(pc) =	sbr.rel @!p2 .LBB2_8-.Ltmp1, $4  }
0xf: {  	s12 =	simm.s32 @!p1 $0x3  }
0x10: {  	_ =	swait.ge @!p1 [sflag:s12], $0x8000  }
0x11: {  	p0 =	por !p0, !p0;
	[sflag:s12] =	ssyncset.done @!p1 $0x0  }
0x12: {  	s11 =	smov.u32 s10;
	s10 =	smov.u32 s13;
	[sflag:s12] =	ssyncadd.s32 @!p1 $0xFFFF8000  }
.LBB2_1:
0x13: {  	p1 =	sgt.u32 s9, $0x3  }
0x14: {  	s12 =	sxor.u32 @!p1 $0xFFFFFFFF, s9  }
0x15: {  	s13 =	sshrl.u32 @!p1 s10, $0x3;
	s12 =	sshll.u32 @!p1 s12, $0x8  }
0x16: {  	s14 =	sand.u32 @!p1 $0x7, s10;
	s13 =	sadd.s32 @!p1 s2, s13;
	s12 =	sand.u32 @!p1 $0x100, s12  }
0x17: {  	[tilespmem:s12], [sflag:$0x2] =	stream.linear.gather @!p1 [hbm4b:s13+s14], $0x100, $0x38;
	[tilespmem:$0x10200] =	vst v63  }
0x18: {  	p1 =	seq.s32 s9, $0x0  }
0x19: {  	p2 =	seq.s32 @!p1 s9, $0x5  }
0x1a: {  	p1 =	por p1, p2  }
.Ltmp2:
0x1b: {  	_ = 	snop;
	(pc) =	sbr.rel @p1 .LBB2_7-.Ltmp2, $1  }
0x1c: {  	_ =	sdelay $0x3  }
0x1d: {  	s12 =	simm.s32 $0x1  }
0x1e: {  	_ =	swait.ge [sflag:s5], $0x100;
	s12 =	simm.s32 @!p0 $0x0  }
0x1f: {  	[sflag:s5] =	ssyncset.done $0x0;
	s14 =	sshll.u32 s12, $0x8  }
0x20: {  	[sflag:s5] =	ssyncadd.s32 $0xFFFFFF00;
	s13 =	sadd.s32 $0x0, s14  }
0x21: {  	v0 =	vld.msk [tilespmem:s13+$0x0 ss:$0x1], $0xffff;
	_ =	sdelay $0x4  }
0x22: {  	vm2 =	vgt.s32 v0, $0x0  }
0x23: {  	v0 =	vnsel vm2, $0x0, v0  }
0x24: {  	v0 =	vmin.u32 v0, $0x7FFF  }
0x25: {  	v0 =	vshll.u32 v0, $0x4;
	_ =	sdelay $0x2  }
0x26: {  	s12 =	sshll.u32 s12, $0xF  }
0x27: {  	s12 =	sor.u32 $0x200, s12  }
0x28: {  	[tilespmem:s12], [sflag:$0x1] =	stream.indirect_vreg.gather [hbm:s3], $0x80, v0, vm0, $0x38;
	[tilespmem:$0x10200] =	vst v63  }
0x29: {  	s15 =	sadd.s32 $0x10, s14;
	s13 =	sadd.s32 $0x400, s12  }
0x2a: {  	[tilespmem:s13], [sflag:$0x1] =	stream.indirect_vreg.gather [hbm:s3], $0x80, v0, vm1, $0x38;
	[tilespmem:$0x10200] =	vst v63  }
0x2b: {  	s16 =	simm.s32 $0x80;
	v0 =	vld.msk [tilespmem:s15+$0x0 ss:$0x1], $0xffff;
	s15 =	smov.u32 s12  }
.LBB2_3:
0x2c: {  	p1 =	sne.s32 s16, $0x3C0;
	_ =	sdelay $0x4  }
0x2d: {  	vm2 =	vgt.s32 v0, $0x0  }
0x2e: {  	v0 =	vnsel vm2, $0x0, v0  }
0x2f: {  	v0 =	vmin.u32 v0, $0x7FFF  }
0x30: {  	v0 =	vshll.u32 v0, $0x4;
	_ =	sdelay $0x3  }
.Ltmp3:
0x31: {  	s17 =	sshra.s32 s16, $0x2;
	s15 =	sadd.s32 $0x800, s15;
	(pc) =	sbr.rel @p1 .LBB2_3-.Ltmp3, $4  }
0x32: {  	[tilespmem:s15], [sflag:$0x1] =	stream.indirect_vreg.gather [hbm:s3], $0x80, v0, vm0, $0x38;
	[tilespmem:$0x10200] =	vst v63  }
0x33: {  	s17 =	sadd.s32 s17, s14;
	s18 =	sadd.s32 $0x400, s15  }
0x34: {  	[tilespmem:s18], [sflag:$0x1] =	stream.indirect_vreg.gather [hbm:s3], $0x80, v0, vm1, $0x38;
	[tilespmem:$0x10200] =	vst v63  }
0x35: {  	s16 =	sadd.s32 $0x40, s16;
	v0 =	vld.msk [tilespmem:s17+$0x0 ss:$0x1], $0xffff  }
0x36: {  	_ =	sdelay $0x3  }
0x37: {  	vm2 =	vgt.s32 v0, $0x0  }
0x38: {  	v0 =	vnsel vm2, $0x0, v0  }
0x39: {  	v0 =	vmin.u32 v0, $0x7FFF  }
0x3a: {  	v0 =	vshll.u32 v0, $0x4;
	_ =	sdelay $0x3  }
0x3b: {  	s14 =	sadd.s32 $0x800, s15  }
0x3c: {  	[tilespmem:s14], [sflag:$0x1] =	stream.indirect_vreg.gather [hbm:s3], $0x80, v0, vm0, $0x38;
	[tilespmem:$0x10200] =	vst v63  }
0x3d: {  	s14 =	sadd.s32 $0x400, s14  }
0x3e: {  	[tilespmem:s14], [sflag:$0x1] =	stream.indirect_vreg.gather [hbm:s3], $0x80, v0, vm1, $0x38;
	[tilespmem:$0x10200] =	vst v63  }
0x3f: {  	s11 =	sshll.u32 s11, $0x4;
	_ =	swait.ge [sflag:s4], $0x8000  }
0x40: {  	s11 =	sadd.s32 s11, s7;
	[sflag:s4] =	ssyncset.done $0x0  }
0x41: {  	s15 =	sadd.s32 $0x0, s11;
	s14 =	simm.s32 $0x80;
	[sflag:s4] =	ssyncadd.s32 $0xFFFF8000  }
.LBB2_5:
0x42: {  	[hbm:s15] =	stream.linear.scatter [tilespmem:s12], [sflag:$0x3], $0x400, $0x38;
	[tilespmem:$0x10200] =	vst v63  }
0x43: {  	s15 =	smov.u32 s14;
	s12 =	smov.u32 s13;
	p1 =	sne.s32 s14, $0xF80  }
.Ltmp4:
0x44: {  	s14 =	sadd.s32 $0x80, s14;
	(pc) =	sbr.rel @p1 .LBB2_5-.Ltmp4, $2  }
0x45: {  	_ =	sdelay $0x2  }
0x46: {  	s13 =	sadd.s32 $0x400, s13;
	s15 =	sadd.s32 s15, s11  }
.Ltmp5:
0x47: {  	(pc) =	sbr.rel .LBB2_7-.Ltmp5, $2  }
0x48: {  	_ =	sdelay $0x2  }
0x49: {  	[hbm:s15] =	stream.linear.scatter [tilespmem:s12], [sflag:$0x3], $0x400, $0x38;
	[tilespmem:$0x10200] =	vst v63  }
.LBB2_8:
0x4a: {  	_ =	sfence.sel $0x180000  }
0x4b: {  	s2 =	simm.s32 $0x2;
	[bflag:$0x0] =	sbarrier.arrive $0xFFFF  }
0x4c: {  	s30 =	simm.s32 $0x3;
	[sflag:s2] =	ssyncpa.u1 $0x1  }
0x4d: {  	s31 =	simm.s32 $0x1;
	[sflag:s30] =	ssyncpa.u1 $0x1  }
0x4e: {  	[sflag:s31] =	ssyncpa.u1 $0x1  }
0x4f: {  	p0 =	sne.s32 s1, $0x0;
	_ =	strace $0x9000004D  }
0x50: {  	s0 =	sadd.s32 @!p0 $0x100000, s0;
	[bflag:$0x2] =	sbarrier.arrive $0xFFFF  }
0x51: {  	[sflag:s0] =	ssyncadd.tile.s32 @!p0 $0x1;
	_ =	shalt  }
.Lfunc_end2:
_tile_overlayer_lowered:
.L_overlay_start_2:
0x52: {  	(tag) =	ssettag $0x2  }
0x53: {  	s0 =	rddreg [dreg:$0x0];
	s2 =	stileid.u32  }
0x54: {  	s1 =	rddreg [dreg:$0x1];
	p0 =	sne.s32 s2, $0x0  }
0x55: {  	s3 =	rddreg [dreg:$0x2];
	[bflag:$0x3] =	sbarrier.arrive $0xFFFF;
	s2 =	simm.s32 @!p0 $0x1C01  }
0x56: {  	[timem:s3], [sflag:s2] =	dma.local @!p0 [hbm:s0], s1  }
0x57: {  	s0 =	simm.s32 @!p0 $0x1  }
0x58: {  	_ =	swait.ge @!p0 [sflag:s0], s1  }
0x59: {  	s1 =	ssub.s32 @!p0 $0x0, s1;
	[sflag:s0] =	ssyncset.done @!p0 $0x0  }
0x5a: {  	[sflag:s0] =	ssyncadd.s32 @!p0 s1  }
0x5b: {  	[bflag:$0x3] =	sbarrier.arrive $0xFFFF  }
0x5c: {  	_ =	shalt  }

// kernel: gather_offload_async_start.3
scs
__scs_entry_jumppad:
0x0: {  	(pc) =	sbr.rel $0x88, $3  }
0x1: {  	(tag) =	ssettag $0x0;
	lr =	simm.s32 $0x1  }
0x2: {  	[smem:$0x3F98] =	sst lr;
	_ =	strace $0xD0000000  }
0x3: {  	_ = 	snop  }
0x4: {  	_ = 	snop  }
0x5: {  	_ = 	snop  }
0x6: {  	_ = 	snop  }
0x7: {  	_ = 	snop  }
__scs_overlays_trampoline_lowered:
0x8: {  	[smem:$0x3FA7] =	sst s0  }
0x9: {  	[smem:$0x3FA8] =	sst s1  }
0xa: {  	[smem:$0x3FA9] =	sst s2  }
0xb: {  	[smem:$0x3FAA] =	sst s3  }
0xc: {  	[smem:$0x3FAB] =	sst s4  }
0xd: {  	[smem:$0x3FAC] =	sst s5  }
0xe: {  	[smem:$0x3FAD] =	sst s6  }
0xf: {  	[smem:$0x3FAE] =	sst s7  }
0x10: {  	[smem:$0x3FAF] =	sst s8  }
0x11: {  	[smem:$0x3FB0] =	sst s9;
	s0 =	simm.s32 @!p0 $0x0  }
0x12: {  	s1 =	sld [smem:$0x3F96];
	s0 =	simm.s32 @p0 $0x1  }
0x13: {  	[smem:$0x3FB1] =	sst s0;
	s0 =	simm.s32 @!p1 $0x0  }
0x14: {  	s2 =	sld [smem:$0x3F95];
	s0 =	simm.s32 @p1 $0x1  }
0x15: {  	[smem:$0x3FB2] =	sst s0;
	s0 =	simm.s32 @!p2 $0x0  }
0x16: {  	s3 =	sld [smem:$0x3FDB];
	s0 =	simm.s32 @p2 $0x1  }
0x17: {  	s4 =	simm.s32 $0x1BF5;
	[smem:$0x3FB4] =	sst s0  }
0x18: {  	s0 =	sld [smem:$0x3F97];
	_ =	swait.ge [sflag:s4], $0x0  }
0x19: {  	s7 =	sld [smem:$0x3F98]  }
0x1a: {  	s8 =	sadd.s32 $0xFFFFE003, lr  }
0x1b: {  	s9 =	sadd.s32 $0xFFFFFEF7, lr;
	s5 =	simm.s32 $0xFFFFFFFF;
	p2 =	slt.u32 s8, $0xFFFFF086  }
0x1c: {  	p1 =	slt.u32 s9, $0xF7A;
	s5 =	simm.s32 @!p2 $0x0  }
0x1d: {  	s5 =	simm.s32 @p1 $0x1;
	p0 =	seq.s32 s7, s2  }
0x1e: {  	s7 =	smul.u32 @!p0 $0xF7A, s2;
	p2 =	seq.s32 @!p0 s5, $0x0  }
0x1f: {  	s9 =	smul.u32 $0xF7A, s1;
	s8 =	simm.s32 @!p0 $0x1BF5;
	p2 =	por !p2, p0  }
0x20: {  	[sflag:s8] =	ssyncset.s32 @!p0 $0xFFFFF086;
	s6 =	sadd.s32 @!p0 s3, s7;
	s7 =	simm.s32 @!p0 $0x108  }
0x21: {  	s3 =	sadd.s32 s3, s9;
	s6 =	sadd.s32 @!p0 $0x88, s6;
	s7 =	simm.s32 @p2 $0x1082  }
0x22: {  	[simem:s7], [sflag:s8] =	dma.local @!p0 [hbm:s6], $0xF7A  }
0x23: {  	s9 =	sor.u32 $0xD0000000, s2;
	s6 =	simm.s32 $0x108;
	_ =	swait.ge @!p0 [sflag:s8], $0x0  }
0x24: {  	s3 =	sadd.s32 $0x88, s3;
	s6 =	simm.s32 @!p1 $0x1082;
	[sflag:s4] =	ssyncset.s32 $0xFFFFF086  }
0x25: {  	[simem:s6], [sflag:s4] =	dma.local [hbm:s3], $0xF7A  }
0x26: {  	[smem:$0x3F98] =	sst s1;
	(tag) =	ssettag s2;
	_ =	strace s9  }
0x27: {  	s1 =	sld [smem:$0x3FA8]  }
0x28: {  	s2 =	sld [smem:$0x3FA9]  }
0x29: {  	s4 =	sld [smem:$0x3FAB]  }
0x2a: {  	p0 =	seq.s32 s5, $0x0;
	s5 =	sld [smem:$0x3FAC]  }
0x2b: {  	s6 =	sld [smem:$0x3FAD]  }
0x2c: {  	s7 =	sld [smem:$0x3FAE]  }
0x2d: {  	s3 =	simm.s32 $0x108;
	s8 =	sld [smem:$0x3FAF]  }
0x2e: {  	s3 =	simm.s32 @!p0 $0x1082;
	s9 =	sld [smem:$0x3FB0]  }
0x2f: {  	lr =	sadd.s32 s0, s3;
	s0 =	sld [smem:$0x3FA7]  }
0x30: {  	s3 =	sld [smem:$0x3FAA]  }
0x31: {  	[smem:$0x3FB3] =	sst s10  }
0x32: {  	s10 =	sld [smem:$0x3FB1];
	_ =	sdelay $0x3  }
0x33: {  	p0 =	seq.s32 s10, $0x1;
	s10 =	sld [smem:$0x3FB3];
	_ =	sdelay $0x3  }
0x34: {  	[smem:$0x3FB3] =	sst s10  }
0x35: {  	s10 =	sld [smem:$0x3FB2];
	_ =	sdelay $0x3  }
0x36: {  	p1 =	seq.s32 s10, $0x1;
	s10 =	sld [smem:$0x3FB3];
	_ =	sdelay $0x3  }
0x37: {  	[smem:$0x3FB3] =	sst s10  }
0x38: {  	s10 =	sld [smem:$0x3FB4]  }
0x39: {  	_ = 	snop;
	(pc) =	sbr.ind lr, $3  }
0x3a: {  	_ = 	snop  }
0x3b: {  	_ = 	snop  }
0x3c: {  	p2 =	seq.s32 s10, $0x1;
	s10 =	sld [smem:$0x3FB3]  }
0x3d: {  	_ =	shalt  }
0x3e: {  	_ =	shalt  }
0x3f: {  	_ =	shalt  }
0x40: {  	_ =	shalt  }
0x41: {  	_ =	shalt  }
0x42: {  	_ =	shalt  }
0x43: {  	_ =	shalt  }
0x44: {  	_ =	shalt  }
0x45: {  	_ =	shalt  }
0x46: {  	_ =	shalt  }
0x47: {  	_ =	shalt  }
0x48: {  	_ =	shalt  }
0x49: {  	_ =	shalt  }
0x4a: {  	_ =	shalt  }
0x4b: {  	_ =	shalt  }
0x4c: {  	_ =	shalt  }
0x4d: {  	_ =	shalt  }
0x4e: {  	_ =	shalt  }
0x4f: {  	_ =	shalt  }
0x50: {  	_ =	shalt  }
0x51: {  	_ =	shalt  }
0x52: {  	_ =	shalt  }
0x53: {  	_ =	shalt  }
0x54: {  	_ =	shalt  }
0x55: {  	_ =	shalt  }
0x56: {  	_ =	shalt  }
0x57: {  	_ =	shalt  }
0x58: {  	_ =	shalt  }
0x59: {  	_ =	shalt  }
0x5a: {  	_ =	shalt  }
0x5b: {  	_ =	shalt  }
0x5c: {  	_ =	shalt  }
0x5d: {  	_ =	shalt  }
0x5e: {  	_ =	shalt  }
0x5f: {  	_ =	shalt  }
0x60: {  	_ =	shalt  }
0x61: {  	_ =	shalt  }
0x62: {  	_ =	shalt  }
0x63: {  	_ =	shalt  }
0x64: {  	_ =	shalt  }
0x65: {  	_ =	shalt  }
0x66: {  	_ =	shalt  }
0x67: {  	_ =	shalt  }
0x68: {  	_ =	shalt  }
0x69: {  	_ =	shalt  }
0x6a: {  	_ =	shalt  }
0x6b: {  	_ =	shalt  }
0x6c: {  	_ =	shalt  }
0x6d: {  	_ =	shalt  }
0x6e: {  	_ =	shalt  }
0x6f: {  	_ =	shalt  }
0x70: {  	_ =	shalt  }
0x71: {  	_ =	shalt  }
0x72: {  	_ =	shalt  }
0x73: {  	_ =	shalt  }
0x74: {  	_ =	shalt  }
0x75: {  	_ =	shalt  }
0x76: {  	_ =	shalt  }
0x77: {  	_ =	shalt  }
0x78: {  	_ =	shalt  }
0x79: {  	_ =	shalt  }
0x7a: {  	_ =	shalt  }
0x7b: {  	_ =	shalt  }
0x7c: {  	_ =	shalt  }
0x7d: {  	_ =	shalt  }
0x7e: {  	_ =	shalt  }
0x7f: {  	_ =	shalt  }
0x80: {  	_ =	shalt  }
0x81: {  	_ =	shalt  }
0x82: {  	_ =	shalt  }
0x83: {  	_ =	shalt  }
0x84: {  	_ =	shalt  }
0x85: {  	_ =	shalt  }
0x86: {  	_ =	shalt  }
0x87: {  	_ =	shalt  }
.Lfunc_end0:
.L_simem_size_0:
called_computation.3_lowered:
.L_overlay_start_0:
0x88: {  	s2 =	sld [smem:$0x3FD9]  }
0x89: {  	s3 =	sld [smem:$0x3FFE];
	_ =	sdelay $0x1  }
0x8a: {  	s1 =	srdreg.scid  }
0x8b: {  	s0 =	sand.u32 $0x1, s1  }
0x8c: {  	s16 =	sshll.u32 s0, $0xA;
	s2 =	sadd.s32 s3, s2  }
0x8d: {  	s2 =	sadd.s32 s2, s16  }
0x8e: {  	[smem:$0x3FBF] =	sst s2  }
0x8f: {  	_ = 	snop  }
0x90: {  	(tm) =	ssettm $0x1  }
0x91: {  	s17 =	sld [smem:$0x3FFB];
	_ =	sdelay $0x3  }
0x92: {  	_ =	strace s17  }
0x93: {  	s2 =	sld [smem:$0x3FFC];
	_ =	sdelay $0x3  }
0x94: {  	_ =	strace s2  }
0x95: {  	s2 =	sld [smem:$0x3FFD];
	_ =	sdelay $0x3  }
0x96: {  	_ =	strace s2  }
0x97: {  	_ =	strace $0x8FFFFFFF  }
0x98: {  	s18 =	sld [smem:$0x3FDB];
	_ =	sdelay $0x1  }
0x99: {  	s19 =	simm.s32 $_scs_section_size  }
0x9a: {  	s4 =	simm.s32 $_size__tile_overlayer_lowered;
	s5 =	simm.s32 $_tile_overlayer_lowered  }
0x9b: {  	s22 =	simm.s32 $0x1BFF;
	s21 =	sshll.u32 s5, $0x1;
	s2 =	sadd.s32 s19, s18  }
0x9c: {  	s6 =	simm.s32 $0x0;
	s20 =	sshll.u32 s4, $0x1;
	s4 =	sadd.s32 s21, s2  }
0x9d: {  	[timem:s6], [sflag:s22] =	dma.local [hbm:s4], s20  }
0x9e: {  	_ =	swait.ge [sflag:s22], s20  }
0x9f: {  	s3 =	ssub.s32 $0x0, s20;
	[sflag:s22] =	ssyncset.done $0x0  }
0xa0: {  	[sflag:s22] =	ssyncadd.s32 s3;
	_ =	sdelay $0x1  }
0xa1: {  	s23 =	simm.s32 $0x1B8B  }
0xa2: {  	_ =	swait.ge [sflag:s23], $0x1  }
0xa3: {  	[sflag:s23] =	ssyncset.done $0x0  }
0xa4: {  	s25 =	simm.s32 $0x1B8E;
	s24 =	sld [smem:$0x3FFE];
	[sflag:s23] =	ssyncadd.s32 $0xFFFFFFFF  }
0xa5: {  	s26 =	simm.s32 $execute0_lowered;
	[smem:$0x3FD2] =	sst s25  }
0xa6: {  	s4 =	sshll.u32 s26, $0x1;
	_ =	strace $0x8000004F;
	[dreg:$0x1] =	wrdreg $0xFFFFFFFF  }
0xa7: {  	s28 =	simm.s32 $_size_execute0_lowered;
	s2 =	sadd.s32 s2, s4;
	[dreg:$0x0] =	wrdreg $0x0  }
0xa8: {  	s4 =	sshll.u32 s28, $0x1;
	[dreg:$0x2] =	wrdreg s2  }
0xa9: {  	[dreg:$0x3] =	wrdreg s4  }
0xaa: {  	[dreg:$0x4] =	wrdreg $0xC0  }
0xab: {  	_ =	task [dreg:s6], $0x5FFFF  }
0xac: {  	[dreg:$0x1] =	wrdreg $0xFFFFFFFF  }
0xad: {  	[dreg:$0x0] =	wrdreg $0x60  }
0xae: {  	[dreg:$0x2] =	wrdreg s24  }
0xaf: {  	[dreg:$0x3] =	wrdreg $0x9  }
0xb0: {  	_ =	task.clear_ibuf [dreg:s6], $0x4FFFF;
	_ =	strace $0x9000004F  }
0xb1: {  	s29 =	simm.s32 $0x9;
	_ =	strace $0x80000051  }
0xb2: {  	_ =	swait.ge [sflag:s29], $0x1  }
0xb3: {  	[sflag:s29] =	ssyncadd.s32 $0xFFFFFFFF  }
0xb4: {  	_ =	strace $0x90000051  }
0xb5: {  	_ =	sfence  }
0xb6: {  	s30 =	sld [smem:$0x0];
	_ =	sdelay $0x2  }
0xb7: {  	s31 =	sshll.u32 s1, $0xD;
	s1 =	sshrl.u32 s1, $0x2  }
0xb8: {  	s3 =	sand.u32 $0x4000, s31;
	s1 =	sadd.s32 s1, s30  }
0xb9: {  	s0 =	sor.u32 s3, s0;
	s1 =	sshll.u32 s1, $0x11  }
0xba: {  	s0 =	sor.u32 s1, s0  }
0xbb: {  	s0 =	sadd.s32 $0x8F2B, s0  }
0xbc: {  	[sflag:s0] =	ssyncadd.remote.s32 $0x1  }
0xbd: {  	_ =	sfence.sel $0xFFFF  }
0xbe: {  	[dreg:$0x0] =	wrdreg $0xFFFFFFFF;
	(pc) =	sbr.abs _section_cstart, $3  }
0xbf: {  	[dreg:$0x1] =	wrdreg $0xFFFFFFFF  }
0xc0: {  	_ =	task.clear_ibuf [dreg:s6], $0x2FFFF;
	_ =	strace $0x9FFFFFFF  }
0xc1: {  	(tm) =	ssettm $0x7FFFFFFF  }
tec
execute0_lowered:
.L_overlay_start_1:
0x0: {  	(tag) =	ssettag $0x1  }
0x1: {  	s2 =	rddreg [dreg:$0x0]  }
0x2: {  	s0 =	rddreg [dreg:$0x1]  }
0x3: {  	s1 =	srdreg.scid;
	_ =	strace $0x80000050;
	s4 =	simm.s32 $0x1  }
0x4: {  	s9 =	simm.s32 $0x3;
	s11 =	simm.s32 $0x0;
	s5 =	sshll.u32 s1, $0x4  }
.Ltmp0:
0x5: {  	s1 =	stileid.u32;
	s5 =	sand.u32 $0x10, s5;
	(pc) =	sbr.rel .LBB2_1-.Ltmp0, $4  }
0x6: {  	p0 =	por $0x0, $0x0;
	s3 =	sadd.s32 $0x41400, s2;
	s6 =	sor.u32 s1, s5  }
0x7: {  	[sflag:s4] =	ssyncpa.u1 $0x0;
	s5 =	simm.s32 $0x2;
	s6 =	sshll.u32 s6, $0x9  }
0x8: {  	s7 =	sadd.s32 $0x41C00, s2;
	[sflag:s5] =	ssyncpa.u1 $0x0;
	s8 =	sadd.s32 $0x200, s6  }
0x9: {  	vm0 =	vmmov $0xff;
	vm1 =	vcmask $0x3F20;
	[sflag:s9] =	ssyncpa.u1 $0x0;
	s10 =	smov.u32 s6;
	s9 =	simm.s32 $0x0  }
.LBB2_7:
0xa: {  	p1 =	slt.u32 s9, $0x2;
	s11 =	sadd.s32 $0x100, s10  }
0xb: {  	s13 =	smov.u32 s6;
	s9 =	sadd.s32 $0x1, s9;
	p2 =	slt.s32 s11, s8  }
0xc: {  	s13 =	smov.u32 @p2 s11;
	p2 =	sne.s32 s9, $0x4  }
.Ltmp1:
0xd: {  	_ = 	snop;
	(pc) =	sbr.rel @!p2 .LBB2_8-.Ltmp1, $4  }
0xe: {  	s12 =	simm.s32 @!p1 $0x3  }
0xf: {  	_ =	swait.ge @!p1 [sflag:s12], $0x8000  }
0x10: {  	p0 =	por !p0, !p0;
	[sflag:s12] =	ssyncset.done @!p1 $0x0  }
0x11: {  	s11 =	smov.u32 s10;
	s10 =	smov.u32 s13;
	[sflag:s12] =	ssyncadd.s32 @!p1 $0xFFFF8000  }
.LBB2_1:
0x12: {  	p1 =	sgt.u32 s9, $0x1  }
0x13: {  	s12 =	sshll.u32 @!p1 s9, $0x8;
	s13 =	sshrl.u32 @!p1 s10, $0x3  }
0x14: {  	s14 =	sand.u32 @!p1 $0x7, s10;
	s12 =	sxor.u32 @!p1 $0x100, s12;
	s13 =	sadd.s32 @!p1 s3, s13  }
0x15: {  	[tilespmem:s12], [sflag:$0x2] =	stream.linear.gather @!p1 [hbm4b:s13+s14], $0x100, $0x38;
	[tilespmem:$0x10200] =	vst v63  }
0x16: {  	p1 =	seq.s32 s9, $0x0  }
0x17: {  	p2 =	seq.s32 @!p1 s9, $0x3  }
0x18: {  	p1 =	por p1, p2  }
.Ltmp2:
0x19: {  	_ = 	snop;
	(pc) =	sbr.rel @p1 .LBB2_7-.Ltmp2, $1  }
0x1a: {  	_ =	sdelay $0x3  }
0x1b: {  	s12 =	simm.s32 $0x1  }
0x1c: {  	_ =	swait.ge [sflag:s5], $0x100;
	s12 =	simm.s32 @!p0 $0x0  }
0x1d: {  	[sflag:s5] =	ssyncset.done $0x0;
	s14 =	sshll.u32 s12, $0x8  }
0x1e: {  	[sflag:s5] =	ssyncadd.s32 $0xFFFFFF00;
	s13 =	sadd.s32 $0x0, s14  }
0x1f: {  	v0 =	vld.msk [tilespmem:s13+$0x0 ss:$0x1], $0xffff;
	_ =	sdelay $0x4  }
0x20: {  	vm2 =	vgt.s32 v0, $0x0  }
0x21: {  	v0 =	vnsel vm2, $0x0, v0  }
0x22: {  	v0 =	vmin.u32 v0, $0x3FFF  }
0x23: {  	v0 =	vshll.u32 v0, $0x4;
	_ =	sdelay $0x2  }
0x24: {  	s12 =	sshll.u32 s12, $0xF  }
0x25: {  	s12 =	sor.u32 $0x200, s12  }
0x26: {  	[tilespmem:s12], [sflag:$0x1] =	stream.indirect_vreg.gather [hbm:s2], $0x80, v0, vm0, $0x38;
	[tilespmem:$0x10200] =	vst v63  }
0x27: {  	s15 =	sadd.s32 $0x10, s14;
	s13 =	sadd.s32 $0x400, s12  }
0x28: {  	[tilespmem:s13], [sflag:$0x1] =	stream.indirect_vreg.gather [hbm:s2], $0x80, v0, vm1, $0x38;
	[tilespmem:$0x10200] =	vst v63  }
0x29: {  	s16 =	simm.s32 $0x80;
	v0 =	vld.msk [tilespmem:s15+$0x0 ss:$0x1], $0xffff;
	s15 =	smov.u32 s12  }
.LBB2_3:
0x2a: {  	p1 =	sne.s32 s16, $0x3C0;
	_ =	sdelay $0x4  }
0x2b: {  	vm2 =	vgt.s32 v0, $0x0  }
0x2c: {  	v0 =	vnsel vm2, $0x0, v0  }
0x2d: {  	v0 =	vmin.u32 v0, $0x3FFF  }
0x2e: {  	v0 =	vshll.u32 v0, $0x4;
	_ =	sdelay $0x3  }
.Ltmp3:
0x2f: {  	s17 =	sshra.s32 s16, $0x2;
	s15 =	sadd.s32 $0x800, s15;
	(pc) =	sbr.rel @p1 .LBB2_3-.Ltmp3, $4  }
0x30: {  	[tilespmem:s15], [sflag:$0x1] =	stream.indirect_vreg.gather [hbm:s2], $0x80, v0, vm0, $0x38;
	[tilespmem:$0x10200] =	vst v63  }
0x31: {  	s17 =	sadd.s32 s17, s14;
	s18 =	sadd.s32 $0x400, s15  }
0x32: {  	[tilespmem:s18], [sflag:$0x1] =	stream.indirect_vreg.gather [hbm:s2], $0x80, v0, vm1, $0x38;
	[tilespmem:$0x10200] =	vst v63  }
0x33: {  	s16 =	sadd.s32 $0x40, s16;
	v0 =	vld.msk [tilespmem:s17+$0x0 ss:$0x1], $0xffff  }
0x34: {  	_ =	sdelay $0x3  }
0x35: {  	vm2 =	vgt.s32 v0, $0x0  }
0x36: {  	v0 =	vnsel vm2, $0x0, v0  }
0x37: {  	v0 =	vmin.u32 v0, $0x3FFF  }
0x38: {  	v0 =	vshll.u32 v0, $0x4;
	_ =	sdelay $0x3  }
0x39: {  	s14 =	sadd.s32 $0x800, s15  }
0x3a: {  	[tilespmem:s14], [sflag:$0x1] =	stream.indirect_vreg.gather [hbm:s2], $0x80, v0, vm0, $0x38;
	[tilespmem:$0x10200] =	vst v63  }
0x3b: {  	s14 =	sadd.s32 $0x400, s14  }
0x3c: {  	[tilespmem:s14], [sflag:$0x1] =	stream.indirect_vreg.gather [hbm:s2], $0x80, v0, vm1, $0x38;
	[tilespmem:$0x10200] =	vst v63  }
0x3d: {  	s11 =	sshll.u32 s11, $0x4;
	_ =	swait.ge [sflag:s4], $0x8000  }
0x3e: {  	s11 =	sadd.s32 s11, s7;
	[sflag:s4] =	ssyncset.done $0x0  }
0x3f: {  	s15 =	sadd.s32 $0x0, s11;
	s14 =	simm.s32 $0x80;
	[sflag:s4] =	ssyncadd.s32 $0xFFFF8000  }
.LBB2_5:
0x40: {  	[hbm:s15] =	stream.linear.scatter [tilespmem:s12], [sflag:$0x3], $0x400, $0x38;
	[tilespmem:$0x10200] =	vst v63  }
0x41: {  	s15 =	smov.u32 s14;
	s12 =	smov.u32 s13;
	p1 =	sne.s32 s14, $0xF80  }
.Ltmp4:
0x42: {  	s14 =	sadd.s32 $0x80, s14;
	(pc) =	sbr.rel @p1 .LBB2_5-.Ltmp4, $2  }
0x43: {  	_ =	sdelay $0x2  }
0x44: {  	s13 =	sadd.s32 $0x400, s13;
	s15 =	sadd.s32 s15, s11  }
.Ltmp5:
0x45: {  	(pc) =	sbr.rel .LBB2_7-.Ltmp5, $2  }
0x46: {  	_ =	sdelay $0x2  }
0x47: {  	[hbm:s15] =	stream.linear.scatter [tilespmem:s12], [sflag:$0x3], $0x400, $0x38;
	[tilespmem:$0x10200] =	vst v63  }
.LBB2_8:
0x48: {  	_ =	sfence.sel $0x180000  }
0x49: {  	s2 =	simm.s32 $0x2;
	[bflag:$0x0] =	sbarrier.arrive $0xFFFF  }
0x4a: {  	s30 =	simm.s32 $0x3;
	[sflag:s2] =	ssyncpa.u1 $0x1  }
0x4b: {  	s31 =	simm.s32 $0x1;
	[sflag:s30] =	ssyncpa.u1 $0x1  }
0x4c: {  	[sflag:s31] =	ssyncpa.u1 $0x1  }
0x4d: {  	p0 =	sne.s32 s1, $0x0;
	_ =	strace $0x90000050  }
0x4e: {  	s0 =	sadd.s32 @!p0 $0x100000, s0;
	[bflag:$0x2] =	sbarrier.arrive $0xFFFF  }
0x4f: {  	[sflag:s0] =	ssyncadd.tile.s32 @!p0 $0x1;
	_ =	shalt  }
.Lfunc_end2:
_tile_overlayer_lowered:
.L_overlay_start_2:
0x50: {  	(tag) =	ssettag $0x2  }
0x51: {  	s0 =	rddreg [dreg:$0x0];
	s2 =	stileid.u32  }
0x52: {  	s1 =	rddreg [dreg:$0x1];
	p0 =	sne.s32 s2, $0x0  }
0x53: {  	s3 =	rddreg [dreg:$0x2];
	[bflag:$0x3] =	sbarrier.arrive $0xFFFF;
	s2 =	simm.s32 @!p0 $0x1C01  }
0x54: {  	[timem:s3], [sflag:s2] =	dma.local @!p0 [hbm:s0], s1  }
0x55: {  	s0 =	simm.s32 @!p0 $0x1  }
0x56: {  	_ =	swait.ge @!p0 [sflag:s0], s1  }
0x57: {  	s1 =	ssub.s32 @!p0 $0x0, s1;
	[sflag:s0] =	ssyncset.done @!p0 $0x0  }
0x58: {  	[sflag:s0] =	ssyncadd.s32 @!p0 s1  }
0x59: {  	[bflag:$0x3] =	sbarrier.arrive $0xFFFF  }
0x5a: {  	_ =	shalt  }

// kernel: gather_offload_async_start
scs
__scs_entry_jumppad:
0x0: {  	(pc) =	sbr.rel $0x88, $3  }
0x1: {  	(tag) =	ssettag $0x0;
	lr =	simm.s32 $0x1  }
0x2: {  	[smem:$0x3F98] =	sst lr;
	_ =	strace $0xD0000000  }
0x3: {  	_ = 	snop  }
0x4: {  	_ = 	snop  }
0x5: {  	_ = 	snop  }
0x6: {  	_ = 	snop  }
0x7: {  	_ = 	snop  }
__scs_overlays_trampoline_lowered:
0x8: {  	[smem:$0x3FA7] =	sst s0  }
0x9: {  	[smem:$0x3FA8] =	sst s1  }
0xa: {  	[smem:$0x3FA9] =	sst s2  }
0xb: {  	[smem:$0x3FAA] =	sst s3  }
0xc: {  	[smem:$0x3FAB] =	sst s4  }
0xd: {  	[smem:$0x3FAC] =	sst s5  }
0xe: {  	[smem:$0x3FAD] =	sst s6  }
0xf: {  	[smem:$0x3FAE] =	sst s7  }
0x10: {  	[smem:$0x3FAF] =	sst s8  }
0x11: {  	[smem:$0x3FB0] =	sst s9;
	s0 =	simm.s32 @!p0 $0x0  }
0x12: {  	s1 =	sld [smem:$0x3F96];
	s0 =	simm.s32 @p0 $0x1  }
0x13: {  	[smem:$0x3FB1] =	sst s0;
	s0 =	simm.s32 @!p1 $0x0  }
0x14: {  	s2 =	sld [smem:$0x3F95];
	s0 =	simm.s32 @p1 $0x1  }
0x15: {  	[smem:$0x3FB2] =	sst s0;
	s0 =	simm.s32 @!p2 $0x0  }
0x16: {  	s3 =	sld [smem:$0x3FDB];
	s0 =	simm.s32 @p2 $0x1  }
0x17: {  	s4 =	simm.s32 $0x1BF5;
	[smem:$0x3FB4] =	sst s0  }
0x18: {  	s0 =	sld [smem:$0x3F97];
	_ =	swait.ge [sflag:s4], $0x0  }
0x19: {  	s7 =	sld [smem:$0x3F98]  }
0x1a: {  	s8 =	sadd.s32 $0xFFFFE003, lr  }
0x1b: {  	s9 =	sadd.s32 $0xFFFFFEF7, lr;
	s5 =	simm.s32 $0xFFFFFFFF;
	p2 =	slt.u32 s8, $0xFFFFF086  }
0x1c: {  	p1 =	slt.u32 s9, $0xF7A;
	s5 =	simm.s32 @!p2 $0x0  }
0x1d: {  	s5 =	simm.s32 @p1 $0x1;
	p0 =	seq.s32 s7, s2  }
0x1e: {  	s7 =	smul.u32 @!p0 $0xF7A, s2;
	p2 =	seq.s32 @!p0 s5, $0x0  }
0x1f: {  	s9 =	smul.u32 $0xF7A, s1;
	s8 =	simm.s32 @!p0 $0x1BF5;
	p2 =	por !p2, p0  }
0x20: {  	[sflag:s8] =	ssyncset.s32 @!p0 $0xFFFFF086;
	s6 =	sadd.s32 @!p0 s3, s7;
	s7 =	simm.s32 @!p0 $0x108  }
0x21: {  	s3 =	sadd.s32 s3, s9;
	s6 =	sadd.s32 @!p0 $0x88, s6;
	s7 =	simm.s32 @p2 $0x1082  }
0x22: {  	[simem:s7], [sflag:s8] =	dma.local @!p0 [hbm:s6], $0xF7A  }
0x23: {  	s9 =	sor.u32 $0xD0000000, s2;
	s6 =	simm.s32 $0x108;
	_ =	swait.ge @!p0 [sflag:s8], $0x0  }
0x24: {  	s3 =	sadd.s32 $0x88, s3;
	s6 =	simm.s32 @!p1 $0x1082;
	[sflag:s4] =	ssyncset.s32 $0xFFFFF086  }
0x25: {  	[simem:s6], [sflag:s4] =	dma.local [hbm:s3], $0xF7A  }
0x26: {  	[smem:$0x3F98] =	sst s1;
	(tag) =	ssettag s2;
	_ =	strace s9  }
0x27: {  	s1 =	sld [smem:$0x3FA8]  }
0x28: {  	s2 =	sld [smem:$0x3FA9]  }
0x29: {  	s4 =	sld [smem:$0x3FAB]  }
0x2a: {  	p0 =	seq.s32 s5, $0x0;
	s5 =	sld [smem:$0x3FAC]  }
0x2b: {  	s6 =	sld [smem:$0x3FAD]  }
0x2c: {  	s7 =	sld [smem:$0x3FAE]  }
0x2d: {  	s3 =	simm.s32 $0x108;
	s8 =	sld [smem:$0x3FAF]  }
0x2e: {  	s3 =	simm.s32 @!p0 $0x1082;
	s9 =	sld [smem:$0x3FB0]  }
0x2f: {  	lr =	sadd.s32 s0, s3;
	s0 =	sld [smem:$0x3FA7]  }
0x30: {  	s3 =	sld [smem:$0x3FAA]  }
0x31: {  	[smem:$0x3FB3] =	sst s10  }
0x32: {  	s10 =	sld [smem:$0x3FB1];
	_ =	sdelay $0x3  }
0x33: {  	p0 =	seq.s32 s10, $0x1;
	s10 =	sld [smem:$0x3FB3];
	_ =	sdelay $0x3  }
0x34: {  	[smem:$0x3FB3] =	sst s10  }
0x35: {  	s10 =	sld [smem:$0x3FB2];
	_ =	sdelay $0x3  }
0x36: {  	p1 =	seq.s32 s10, $0x1;
	s10 =	sld [smem:$0x3FB3];
	_ =	sdelay $0x3  }
0x37: {  	[smem:$0x3FB3] =	sst s10  }
0x38: {  	s10 =	sld [smem:$0x3FB4]  }
0x39: {  	_ = 	snop;
	(pc) =	sbr.ind lr, $3  }
0x3a: {  	_ = 	snop  }
0x3b: {  	_ = 	snop  }
0x3c: {  	p2 =	seq.s32 s10, $0x1;
	s10 =	sld [smem:$0x3FB3]  }
0x3d: {  	_ =	shalt  }
0x3e: {  	_ =	shalt  }
0x3f: {  	_ =	shalt  }
0x40: {  	_ =	shalt  }
0x41: {  	_ =	shalt  }
0x42: {  	_ =	shalt  }
0x43: {  	_ =	shalt  }
0x44: {  	_ =	shalt  }
0x45: {  	_ =	shalt  }
0x46: {  	_ =	shalt  }
0x47: {  	_ =	shalt  }
0x48: {  	_ =	shalt  }
0x49: {  	_ =	shalt  }
0x4a: {  	_ =	shalt  }
0x4b: {  	_ =	shalt  }
0x4c: {  	_ =	shalt  }
0x4d: {  	_ =	shalt  }
0x4e: {  	_ =	shalt  }
0x4f: {  	_ =	shalt  }
0x50: {  	_ =	shalt  }
0x51: {  	_ =	shalt  }
0x52: {  	_ =	shalt  }
0x53: {  	_ =	shalt  }
0x54: {  	_ =	shalt  }
0x55: {  	_ =	shalt  }
0x56: {  	_ =	shalt  }
0x57: {  	_ =	shalt  }
0x58: {  	_ =	shalt  }
0x59: {  	_ =	shalt  }
0x5a: {  	_ =	shalt  }
0x5b: {  	_ =	shalt  }
0x5c: {  	_ =	shalt  }
0x5d: {  	_ =	shalt  }
0x5e: {  	_ =	shalt  }
0x5f: {  	_ =	shalt  }
0x60: {  	_ =	shalt  }
0x61: {  	_ =	shalt  }
0x62: {  	_ =	shalt  }
0x63: {  	_ =	shalt  }
0x64: {  	_ =	shalt  }
0x65: {  	_ =	shalt  }
0x66: {  	_ =	shalt  }
0x67: {  	_ =	shalt  }
0x68: {  	_ =	shalt  }
0x69: {  	_ =	shalt  }
0x6a: {  	_ =	shalt  }
0x6b: {  	_ =	shalt  }
0x6c: {  	_ =	shalt  }
0x6d: {  	_ =	shalt  }
0x6e: {  	_ =	shalt  }
0x6f: {  	_ =	shalt  }
0x70: {  	_ =	shalt  }
0x71: {  	_ =	shalt  }
0x72: {  	_ =	shalt  }
0x73: {  	_ =	shalt  }
0x74: {  	_ =	shalt  }
0x75: {  	_ =	shalt  }
0x76: {  	_ =	shalt  }
0x77: {  	_ =	shalt  }
0x78: {  	_ =	shalt  }
0x79: {  	_ =	shalt  }
0x7a: {  	_ =	shalt  }
0x7b: {  	_ =	shalt  }
0x7c: {  	_ =	shalt  }
0x7d: {  	_ =	shalt  }
0x7e: {  	_ =	shalt  }
0x7f: {  	_ =	shalt  }
0x80: {  	_ =	shalt  }
0x81: {  	_ =	shalt  }
0x82: {  	_ =	shalt  }
0x83: {  	_ =	shalt  }
0x84: {  	_ =	shalt  }
0x85: {  	_ =	shalt  }
0x86: {  	_ =	shalt  }
0x87: {  	_ =	shalt  }
.Lfunc_end0:
.L_simem_size_0:
called_computation_lowered:
.L_overlay_start_0:
0x88: {  	s2 =	sld [smem:$0x3FD9]  }
0x89: {  	s3 =	sld [smem:$0x3FFE];
	_ =	sdelay $0x1  }
0x8a: {  	s1 =	srdreg.scid  }
0x8b: {  	s0 =	sand.u32 $0x1, s1  }
0x8c: {  	s17 =	sshll.u32 s0, $0xA;
	s2 =	sadd.s32 s3, s2  }
0x8d: {  	s2 =	sadd.s32 s2, s17  }
0x8e: {  	[smem:$0x3FBF] =	sst s2  }
0x8f: {  	_ = 	snop  }
0x90: {  	s18 =	sld [smem:$0x3FD0];
	(tm) =	ssettm $0x1  }
0x91: {  	s19 =	sld [smem:$0x3FFB];
	_ =	sdelay $0x3  }
0x92: {  	_ =	strace s19  }
0x93: {  	s2 =	sld [smem:$0x3FFC];
	_ =	sdelay $0x3  }
0x94: {  	_ =	strace s2  }
0x95: {  	s2 =	sld [smem:$0x3FFD];
	_ =	sdelay $0x3  }
0x96: {  	_ =	strace s2  }
0x97: {  	_ =	strace $0x8FFFFFFF  }
0x98: {  	s20 =	sld [smem:$0x3FDB];
	_ =	sdelay $0x1  }
0x99: {  	s4 =	simm.s32 $_scs_section_size  }
0x9a: {  	s5 =	simm.s32 $_size__tile_overlayer_lowered;
	s6 =	simm.s32 $_tile_overlayer_lowered  }
0x9b: {  	s7 =	simm.s32 $0x1BFF;
	s21 =	sshll.u32 s6, $0x1;
	s4 =	sadd.s32 s4, s20  }
0x9c: {  	s22 =	simm.s32 $0x0;
	s5 =	sshll.u32 s5, $0x1;
	s6 =	sadd.s32 s21, s4  }
0x9d: {  	[timem:s22], [sflag:s7] =	dma.local [hbm:s6], s5  }
0x9e: {  	_ =	swait.ge [sflag:s7], s5  }
0x9f: {  	s5 =	ssub.s32 $0x0, s5;
	[sflag:s7] =	ssyncset.done $0x0  }
0xa0: {  	[sflag:s7] =	ssyncadd.s32 s5;
	_ =	sdelay $0x1  }
0xa1: {  	s23 =	simm.s32 $0x1B8B  }
0xa2: {  	_ =	swait.ge [sflag:s23], $0x1  }
0xa3: {  	[sflag:s23] =	ssyncset.done $0x0  }
0xa4: {  	[sflag:s23] =	ssyncadd.s32 $0xFFFFFFFF  }
0xa5: {  	s5 =	sld [smem:$0x0]  }
0xa6: {  	s6 =	sand.u32 $0xFFFFFFFE, s1  }
0xa7: {  	p0 =	sne.s32 s1, s6  }
0xa8: {  	s6 =	sshll.u32 @p0 s6, $0xE  }
0xa9: {  	s6 =	sadd.s32 @p0 $0x11B8D, s6;
	s7 =	sshll.u32 @p0 s5, $0x11  }
0xaa: {  	s6 =	sor.u32 @p0 s7, s6  }
0xab: {  	[sflag:s6] =	ssyncadd.remote.s32 @p0 $0x1;
	_ =	sdelay $0x1  }
0xac: {  	s6 =	simm.s32 @p0 $0x1B8D  }
0xad: {  	_ =	swait.eq @p0 [sflag:s6], $0x1  }
0xae: {  	[sflag:s6] =	ssyncadd.s32 @p0 $0xFFFFFFFF  }
0xaf: {  	s7 =	sshll.u32 @!p0 s1, $0xE  }
0xb0: {  	s7 =	sor.u32 @!p0 $0x4000, s7;
	s6 =	simm.s32 @!p0 $0x1B8D  }
0xb1: {  	s5 =	sshll.u32 @!p0 s5, $0x11;
	s7 =	sadd.s32 @!p0 $0x11B8D, s7;
	_ =	swait.eq @!p0 [sflag:s6], $0x1  }
0xb2: {  	s5 =	sor.u32 @!p0 s5, s7;
	[sflag:s6] =	ssyncadd.s32 @!p0 $0xFFFFFFFF  }
0xb3: {  	s25 =	simm.s32 $0x1B8E;
	s24 =	sld [smem:$0x3FFE];
	[sflag:s5] =	ssyncadd.remote.s32 @!p0 $0x1  }
0xb4: {  	s26 =	simm.s32 $execute0_lowered;
	[smem:$0x3FD2] =	sst s25  }
0xb5: {  	s6 =	sshll.u32 s26, $0x1;
	_ =	strace $0x80000049;
	[dreg:$0x1] =	wrdreg $0xFFFFFFFF  }
0xb6: {  	s28 =	simm.s32 $_size_execute0_lowered;
	s4 =	sadd.s32 s4, s6;
	[dreg:$0x0] =	wrdreg $0x0  }
0xb7: {  	s6 =	sshll.u32 s28, $0x1;
	[dreg:$0x2] =	wrdreg s4  }
0xb8: {  	[dreg:$0x3] =	wrdreg s6  }
0xb9: {  	[dreg:$0x4] =	wrdreg $0xC0  }
0xba: {  	_ =	task [dreg:s22], $0x5FFFF  }
0xbb: {  	[dreg:$0x1] =	wrdreg $0xFFFFFFFF  }
0xbc: {  	[dreg:$0x0] =	wrdreg $0x60  }
0xbd: {  	[dreg:$0x2] =	wrdreg s24  }
0xbe: {  	[dreg:$0x3] =	wrdreg s18  }
0xbf: {  	[dreg:$0x4] =	wrdreg $0x9  }
0xc0: {  	_ =	task.clear_ibuf [dreg:s22], $0x5FFFF;
	_ =	strace $0x90000049  }
0xc1: {  	s29 =	simm.s32 $0x9;
	_ =	strace $0x8000004B  }
0xc2: {  	_ =	swait.ge [sflag:s29], $0x1  }
0xc3: {  	[sflag:s29] =	ssyncadd.s32 $0xFFFFFFFF  }
0xc4: {  	_ =	strace $0x9000004B  }
0xc5: {  	_ =	sfence  }
0xc6: {  	s30 =	sld [smem:$0x0];
	_ =	sdelay $0x2  }
0xc7: {  	s31 =	sshll.u32 s1, $0xD;
	s1 =	sshrl.u32 s1, $0x2  }
0xc8: {  	s4 =	sand.u32 $0x4000, s31;
	s1 =	sadd.s32 s1, s30  }
0xc9: {  	s0 =	sor.u32 s4, s0;
	s1 =	sshll.u32 s1, $0x11  }
0xca: {  	s0 =	sor.u32 s1, s0  }
0xcb: {  	s0 =	sadd.s32 $0x8F2B, s0  }
0xcc: {  	[sflag:s0] =	ssyncadd.remote.s32 $0x1  }
0xcd: {  	_ =	sfence.sel $0xFFFF  }
0xce: {  	[dreg:$0x0] =	wrdreg $0xFFFFFFFF;
	(pc) =	sbr.abs _section_cstart, $3  }
0xcf: {  	[dreg:$0x1] =	wrdreg $0xFFFFFFFF  }
0xd0: {  	_ =	task.clear_ibuf [dreg:s22], $0x2FFFF;
	_ =	strace $0x9FFFFFFF  }
0xd1: {  	(tm) =	ssettm $0x7FFFFFFF  }
tec
execute0_lowered:
.L_overlay_start_1:
0x0: {  	(tag) =	ssettag $0x1  }
0x1: {  	s7 =	rddreg [dreg:$0x0]  }
0x2: {  	s2 =	rddreg [dreg:$0x1]  }
0x3: {  	s0 =	rddreg [dreg:$0x2]  }
0x4: {  	s1 =	srdreg.scid;
	_ =	strace $0x8000004A;
	s4 =	simm.s32 $0x1  }
0x5: {  	s9 =	simm.s32 $0x3;
	s11 =	simm.s32 $0x0;
	s5 =	sshll.u32 s1, $0x4  }
.Ltmp0:
0x6: {  	s1 =	stileid.u32;
	s5 =	sand.u32 $0x10, s5;
	(pc) =	sbr.rel .LBB2_1-.Ltmp0, $4  }
0x7: {  	p0 =	por $0x0, $0x0;
	s3 =	sadd.s32 $0x81C00, s7;
	s6 =	sor.u32 s1, s5  }
0x8: {  	[sflag:s4] =	ssyncpa.u1 $0x0;
	s5 =	simm.s32 $0x2;
	s6 =	sshll.u32 s6, $0xA  }
0x9: {  	s7 =	sadd.s32 $0x183200, s7;
	[sflag:s5] =	ssyncpa.u1 $0x0;
	s8 =	sadd.s32 $0x400, s6  }
0xa: {  	vm0 =	vmmov $0xff;
	vm1 =	vcmask $0x3F20;
	[sflag:s9] =	ssyncpa.u1 $0x0;
	s10 =	smov.u32 s6;
	s9 =	simm.s32 $0x0  }
.LBB2_7:
0xb: {  	p1 =	slt.u32 s9, $0x2;
	s11 =	sadd.s32 $0x100, s10  }
0xc: {  	s13 =	smov.u32 s6;
	s9 =	sadd.s32 $0x1, s9;
	p2 =	slt.s32 s11, s8  }
0xd: {  	s13 =	smov.u32 @p2 s11;
	p2 =	sne.s32 s9, $0x6  }
.Ltmp1:
0xe: {  	_ = 	snop;
	(pc) =	sbr.rel @!p2 .LBB2_8-.Ltmp1, $4  }
0xf: {  	s12 =	simm.s32 @!p1 $0x3  }
0x10: {  	_ =	swait.ge @!p1 [sflag:s12], $0x8000  }
0x11: {  	p0 =	por !p0, !p0;
	[sflag:s12] =	ssyncset.done @!p1 $0x0  }
0x12: {  	s11 =	smov.u32 s10;
	s10 =	smov.u32 s13;
	[sflag:s12] =	ssyncadd.s32 @!p1 $0xFFFF8000  }
.LBB2_1:
0x13: {  	p1 =	sgt.u32 s9, $0x3  }
0x14: {  	s12 =	sxor.u32 @!p1 $0xFFFFFFFF, s9  }
0x15: {  	s13 =	sshrl.u32 @!p1 s10, $0x3;
	s12 =	sshll.u32 @!p1 s12, $0x8  }
0x16: {  	s14 =	sand.u32 @!p1 $0x7, s10;
	s13 =	sadd.s32 @!p1 s2, s13;
	s12 =	sand.u32 @!p1 $0x100, s12  }
0x17: {  	[tilespmem:s12], [sflag:$0x2] =	stream.linear.gather @!p1 [hbm4b:s13+s14], $0x100, $0x38;
	[tilespmem:$0x10200] =	vst v63  }
0x18: {  	p1 =	seq.s32 s9, $0x0  }
0x19: {  	p2 =	seq.s32 @!p1 s9, $0x5  }
0x1a: {  	p1 =	por p1, p2  }
.Ltmp2:
0x1b: {  	_ = 	snop;
	(pc) =	sbr.rel @p1 .LBB2_7-.Ltmp2, $1  }
0x1c: {  	_ =	sdelay $0x3  }
0x1d: {  	s12 =	simm.s32 $0x1  }
0x1e: {  	_ =	swait.ge [sflag:s5], $0x100;
	s12 =	simm.s32 @!p0 $0x0  }
0x1f: {  	[sflag:s5] =	ssyncset.done $0x0;
	s14 =	sshll.u32 s12, $0x8  }
0x20: {  	[sflag:s5] =	ssyncadd.s32 $0xFFFFFF00;
	s13 =	sadd.s32 $0x0, s14  }
0x21: {  	v0 =	vld.msk [tilespmem:s13+$0x0 ss:$0x1], $0xffff;
	_ =	sdelay $0x4  }
0x22: {  	vm2 =	vgt.s32 v0, $0x0  }
0x23: {  	v0 =	vnsel vm2, $0x0, v0  }
0x24: {  	v0 =	vmin.u32 v0, $0x7FFF  }
0x25: {  	v0 =	vshll.u32 v0, $0x4;
	_ =	sdelay $0x2  }
0x26: {  	s12 =	sshll.u32 s12, $0xF  }
0x27: {  	s12 =	sor.u32 $0x200, s12  }
0x28: {  	[tilespmem:s12], [sflag:$0x1] =	stream.indirect_vreg.gather [hbm:s3], $0x80, v0, vm0, $0x38;
	[tilespmem:$0x10200] =	vst v63  }
0x29: {  	s15 =	sadd.s32 $0x10, s14;
	s13 =	sadd.s32 $0x400, s12  }
0x2a: {  	[tilespmem:s13], [sflag:$0x1] =	stream.indirect_vreg.gather [hbm:s3], $0x80, v0, vm1, $0x38;
	[tilespmem:$0x10200] =	vst v63  }
0x2b: {  	s16 =	simm.s32 $0x80;
	v0 =	vld.msk [tilespmem:s15+$0x0 ss:$0x1], $0xffff;
	s15 =	smov.u32 s12  }
.LBB2_3:
0x2c: {  	p1 =	sne.s32 s16, $0x3C0;
	_ =	sdelay $0x4  }
0x2d: {  	vm2 =	vgt.s32 v0, $0x0  }
0x2e: {  	v0 =	vnsel vm2, $0x0, v0  }
0x2f: {  	v0 =	vmin.u32 v0, $0x7FFF  }
0x30: {  	v0 =	vshll.u32 v0, $0x4;
	_ =	sdelay $0x3  }
.Ltmp3:
0x31: {  	s17 =	sshra.s32 s16, $0x2;
	s15 =	sadd.s32 $0x800, s15;
	(pc) =	sbr.rel @p1 .LBB2_3-.Ltmp3, $4  }
0x32: {  	[tilespmem:s15], [sflag:$0x1] =	stream.indirect_vreg.gather [hbm:s3], $0x80, v0, vm0, $0x38;
	[tilespmem:$0x10200] =	vst v63  }
0x33: {  	s17 =	sadd.s32 s17, s14;
	s18 =	sadd.s32 $0x400, s15  }
0x34: {  	[tilespmem:s18], [sflag:$0x1] =	stream.indirect_vreg.gather [hbm:s3], $0x80, v0, vm1, $0x38;
	[tilespmem:$0x10200] =	vst v63  }
0x35: {  	s16 =	sadd.s32 $0x40, s16;
	v0 =	vld.msk [tilespmem:s17+$0x0 ss:$0x1], $0xffff  }
0x36: {  	_ =	sdelay $0x3  }
0x37: {  	vm2 =	vgt.s32 v0, $0x0  }
0x38: {  	v0 =	vnsel vm2, $0x0, v0  }
0x39: {  	v0 =	vmin.u32 v0, $0x7FFF  }
0x3a: {  	v0 =	vshll.u32 v0, $0x4;
	_ =	sdelay $0x3  }
0x3b: {  	s14 =	sadd.s32 $0x800, s15  }
0x3c: {  	[tilespmem:s14], [sflag:$0x1] =	stream.indirect_vreg.gather [hbm:s3], $0x80, v0, vm0, $0x38;
	[tilespmem:$0x10200] =	vst v63  }
0x3d: {  	s14 =	sadd.s32 $0x400, s14  }
0x3e: {  	[tilespmem:s14], [sflag:$0x1] =	stream.indirect_vreg.gather [hbm:s3], $0x80, v0, vm1, $0x38;
	[tilespmem:$0x10200] =	vst v63  }
0x3f: {  	s11 =	sshll.u32 s11, $0x4;
	_ =	swait.ge [sflag:s4], $0x8000  }
0x40: {  	s11 =	sadd.s32 s11, s7;
	[sflag:s4] =	ssyncset.done $0x0  }
0x41: {  	s15 =	sadd.s32 $0x0, s11;
	s14 =	simm.s32 $0x80;
	[sflag:s4] =	ssyncadd.s32 $0xFFFF8000  }
.LBB2_5:
0x42: {  	[hbm:s15] =	stream.linear.scatter [tilespmem:s12], [sflag:$0x3], $0x400, $0x38;
	[tilespmem:$0x10200] =	vst v63  }
0x43: {  	s15 =	smov.u32 s14;
	s12 =	smov.u32 s13;
	p1 =	sne.s32 s14, $0xF80  }
.Ltmp4:
0x44: {  	s14 =	sadd.s32 $0x80, s14;
	(pc) =	sbr.rel @p1 .LBB2_5-.Ltmp4, $2  }
0x45: {  	_ =	sdelay $0x2  }
0x46: {  	s13 =	sadd.s32 $0x400, s13;
	s15 =	sadd.s32 s15, s11  }
.Ltmp5:
0x47: {  	(pc) =	sbr.rel .LBB2_7-.Ltmp5, $2  }
0x48: {  	_ =	sdelay $0x2  }
0x49: {  	[hbm:s15] =	stream.linear.scatter [tilespmem:s12], [sflag:$0x3], $0x400, $0x38;
	[tilespmem:$0x10200] =	vst v63  }
.LBB2_8:
0x4a: {  	_ =	sfence.sel $0x180000  }
0x4b: {  	s2 =	simm.s32 $0x2;
	[bflag:$0x0] =	sbarrier.arrive $0xFFFF  }
0x4c: {  	s30 =	simm.s32 $0x3;
	[sflag:s2] =	ssyncpa.u1 $0x1  }
0x4d: {  	s31 =	simm.s32 $0x1;
	[sflag:s30] =	ssyncpa.u1 $0x1  }
0x4e: {  	[sflag:s31] =	ssyncpa.u1 $0x1  }
0x4f: {  	p0 =	sne.s32 s1, $0x0;
	_ =	strace $0x9000004A  }
0x50: {  	s0 =	sadd.s32 @!p0 $0x100000, s0;
	[bflag:$0x2] =	sbarrier.arrive $0xFFFF  }
0x51: {  	[sflag:s0] =	ssyncadd.tile.s32 @!p0 $0x1;
	_ =	shalt  }
.Lfunc_end2:
_tile_overlayer_lowered:
.L_overlay_start_2:
0x52: {  	(tag) =	ssettag $0x2  }
0x53: {  	s0 =	rddreg [dreg:$0x0];
	s2 =	stileid.u32  }
0x54: {  	s1 =	rddreg [dreg:$0x1];
	p0 =	sne.s32 s2, $0x0  }
0x55: {  	s3 =	rddreg [dreg:$0x2];
	[bflag:$0x3] =	sbarrier.arrive $0xFFFF;
	s2 =	simm.s32 @!p0 $0x1C01  }
0x56: {  	[timem:s3], [sflag:s2] =	dma.local @!p0 [hbm:s0], s1  }
0x57: {  	s0 =	simm.s32 @!p0 $0x1  }
0x58: {  	_ =	swait.ge @!p0 [sflag:s0], s1  }
0x59: {  	s1 =	ssub.s32 @!p0 $0x0, s1;
	[sflag:s0] =	ssyncset.done @!p0 $0x0  }
0x5a: {  	[sflag:s0] =	ssyncadd.s32 @!p0 s1  }
0x5b: {  	[bflag:$0x3] =	sbarrier.arrive $0xFFFF  }
0x5c: {  	_ =	shalt  }

</sc_bundles>
